<compile_context>
chip_gen: v7x
topology: tpu7x:2x2x1
jax: 0.10.2.dev20260603
libtpu: 0.0.44.dev20260713+nightly
codegen_flags: <defaults>
</compile_context>

<pallas_src>
import functools
import math

import jax
import jax.numpy as jnp
from jax import lax
from jax.experimental import pallas as pl
from jax.experimental.pallas import tpu as pltpu
from jax.experimental.pallas import tpu_sc as plsc

D = 32
L = 16
NC, NS = 2, 16
NW = NC * NS

B = 4096 * 200
B_PER_W = B // NW
NBUF = 2
CHUNK = 512
N_CHUNKS = B_PER_W // CHUNK
BLK = 128
NBLK = CHUNK // BLK

_SCALE = math.sqrt(float(D))


def _body(x_hbm, table_hbm, o6_hbm, idx_v, rows, stages, gsems, ssems):
    wid = lax.axis_index("s") * NC + lax.axis_index("c")
    base = wid * B_PER_W
    pltpu.sync_copy(x_hbm.at[pl.ds(base, B_PER_W)], idx_v)
    iota16 = lax.iota(jnp.int32, L)

    def fix_idx(q, carry):
        for u in range(4):
            sl = pl.ds((q * 4 + u) * L, L)
            t = idx_v[sl]
            idx_v[sl] = ((t & ~32767) | ((t & 8191) << 2)
                         | ((t >> 13) & 3))
        return carry

    lax.fori_loop(0, B_PER_W // (4 * L), fix_idx, 0)

    def gather_start(c, b):
        pltpu.async_copy(
            table_hbm.at[idx_v.at[pl.ds(c * CHUNK, CHUNK)]], rows[b], gsems[b])

    def gather_wait(c, b):
        pltpu.make_async_copy(
            table_hbm.at[idx_v.at[pl.ds(c * CHUNK, CHUNK)]], rows[b],
            gsems[b]).wait()

    def store_start(beta, k):
        s = beta >> 5
        b4t = beta & 31
        pltpu.async_copy(
            stages[k].at[:, :, pl.ds(0, BLK)], o6_hbm.at[s, :, b4t, :, :],
            ssems[k])

    def store_wait(beta, k):
        s = beta >> 5
        b4t = beta & 31
        pltpu.make_async_copy(
            stages[k].at[:, :, pl.ds(0, BLK)], o6_hbm.at[s, :, b4t, :, :],
            ssems[k]).wait()

    dt_lo, di_lo = iota16 >> 3, iota16 & 7
    dt_hi, di_hi = dt_lo + 2, di_lo

    def build_all(rows_ref):
        def per_row(i, carry):
            col = jnp.zeros((L,), jnp.int32) + i
            for k in range(NBLK):
                r = k * BLK + i
                v0 = rows_ref[r, pl.ds(0, L)]
                v1 = rows_ref[r, pl.ds(L, L)]
                plsc.store_scatter(stages[k], [dt_lo, di_lo, col], v0)
                plsc.store_scatter(stages[k], [dt_hi, di_hi, col], v1)
            return carry

        lax.fori_loop(0, BLK, per_row, 0)

    for b in range(NBUF):
        gather_start(b, b)

    def chunk_body(c, b):
        gather_wait(c, b)
        beta0 = wid * (N_CHUNKS * NBLK) + c * NBLK

        def drain(k):
            if b == 0:
                @pl.when(c > 0)
                def _():
                    store_wait(beta0 + k, k)
            else:
                store_wait(beta0 + k, k)

        for k in range(NBLK):
            drain(k)
        build_all(rows[b])
        for k in range(NBLK):
            store_start(beta0 + k, k)

        @pl.when(c + NBUF < N_CHUNKS)
        def _():
            gather_start(c + NBUF, b)

    def outer(g, carry):
        for b in range(NBUF):
            chunk_body(g + b, b)
        return carry

    lax.fori_loop(0, N_CHUNKS // NBUF, lambda i, cr: outer(i * NBUF, cr), 0)
    for k in range(NBLK):
        beta = wid * (N_CHUNKS * NBLK) + (N_CHUNKS - 1) * NBLK + k
        store_wait(beta, k)


@functools.partial(
    pl.kernel,
    mesh=plsc.VectorSubcoreMesh(core_axis_name="c", subcore_axis_name="s"),
    out_type=jax.ShapeDtypeStruct((200, 4, 32, 8, 128), jnp.float32),
    scratch_types=[
        pltpu.VMEM((B_PER_W,), jnp.int32),
        [pltpu.VMEM((CHUNK, D), jnp.float32) for _ in range(NBUF)],
        [pltpu.VMEM((4, 8, 129), jnp.float32) for _ in range(NBLK)],
        [pltpu.SemaphoreType.DMA for _ in range(NBUF)],
        [pltpu.SemaphoreType.DMA for _ in range(NBLK)],
    ],
    compiler_params=pltpu.CompilerParams(
        use_tc_tiling_on_sc=False, needs_layout_passes=False),
)
def _gather_scale(x_hbm, table_hbm, o6_hbm, idx_v, rows, stages, gsems, ssems):
    _body(x_hbm, table_hbm, o6_hbm, idx_v, rows, stages, gsems, ssems)


_TB = 32768
_QB = _TB // 4
_NTB = -(-1000000 // _TB)


def _detile_body(tt_ref, r_ref):
    t = jnp.swapaxes(tt_ref[...], 0, 1)
    parts = [t[_QB * u:_QB * (u + 1), :] for u in range(4)]
    r_ref[...] = jnp.concatenate(parts, axis=1) * _SCALE


_detile_tc = pl.pallas_call(
    _detile_body,
    grid=(_NTB,),
    in_specs=[pl.BlockSpec((D, _TB), lambda b: (0, b))],
    out_specs=pl.BlockSpec((_QB, 128), lambda b: (b, 0)),
    out_shape=jax.ShapeDtypeStruct((_NTB * _QB, 128), jnp.float32),
)


def kernel(x, table):
    rows_lin = _detile_tc(table.T).reshape(_NTB * _TB, D)
    xt = x.T.reshape(B)
    o6 = _gather_scale(xt, rows_lin)
    return o6.transpose(2, 4, 0, 1, 3).reshape(4096, 200, 32)

# --- scband reference (transcript-rebuilt; emitter-appended) ---
"""Pipeline reference for scband-embeddings-72610717106509 (READ-ONLY COPY).

The authoritative reference and input builder live on the scoring server;
editing this copy changes nothing except your own understanding.
"""

import jax, jax.numpy as jnp
import numpy as np
import math

N_TOKEN = 1000000
D_MODEL = 32

def setup_inputs(seed: int = 0) -> dict:
    key = jax.random.key(seed)
    k1, k2 = jax.random.split(key)
    x = jax.random.randint(k1, (4096, 200), 0, N_TOKEN, dtype=jnp.int32)
    table = jax.random.normal(k2, (N_TOKEN, D_MODEL), dtype=jnp.float32)
    # padding_idx=0: row 0 is zeros
    table = table.at[0].set(0.0)
    return {"x": x, "table": table}

def reference(x, table):
    # Embeddings.forward: self.lut(x) * sqrt(d_model)
    emb = jnp.take(table, x, axis=0)
    return emb * math.sqrt(float(D_MODEL))

if __name__ == "__main__":
    import jax
    _d = setup_inputs()
    print(jax.jit(kernel)(*tuple(_d.values())))

</pallas_src>

<mosaic_0001>
#map = affine_map<(d0, d1) -> (0)>
#map1 = affine_map<(d0, d1) -> (0, 0)>
#map2 = affine_map<(d0, d1) -> (0, 0, 0, 0, 0)>
module attributes {stable_mosaic.version = 14 : i64} {
  func.func @_gather_scale(%arg0: i32, %arg1: i32, %arg2: memref<819200xi32, #tpu.memory_space<hbm>>, %arg3: memref<1015808x32xf32, #tpu.memory_space<hbm>>, %arg4: memref<200x4x32x8x128xf32, #tpu.memory_space<hbm>>, %arg5: memref<25600xi32, #tpu.memory_space<vmem>>, %arg6: memref<512x32xf32, #tpu.memory_space<vmem>>, %arg7: memref<512x32xf32, #tpu.memory_space<vmem>>, %arg8: memref<4x8x129xf32, #tpu.memory_space<vmem>>, %arg9: memref<4x8x129xf32, #tpu.memory_space<vmem>>, %arg10: memref<4x8x129xf32, #tpu.memory_space<vmem>>, %arg11: memref<4x8x129xf32, #tpu.memory_space<vmem>>, %arg12: memref<!tpu.dma_semaphore, #tpu.memory_space<semaphore_mem>>, %arg13: memref<!tpu.dma_semaphore, #tpu.memory_space<semaphore_mem>>, %arg14: memref<!tpu.dma_semaphore, #tpu.memory_space<semaphore_mem>>, %arg15: memref<!tpu.dma_semaphore, #tpu.memory_space<semaphore_mem>>, %arg16: memref<!tpu.dma_semaphore, #tpu.memory_space<semaphore_mem>>, %arg17: memref<!tpu.dma_semaphore, #tpu.memory_space<semaphore_mem>>) attributes {dimension_semantics = [#tpu.dimension_semantics<core_parallel>, #tpu.dimension_semantics<subcore_parallel>], iteration_bounds = array<i64: 2, 16>, scalar_prefetch = 0 : i64, scratch_operands = 13 : i64, tpu.core_type = #tpu.core_type<sc_vector_subcore>, window_params = [{transform_indices = #map}, {transform_indices = #map1}, {transform_indices = #map2}]} {
    %mul3A = arith.constant 2 : i32
    %mul3A_0 = arith.muli %arg1, %mul3A : i32
    %add3A = arith.addi %mul3A_0, %arg0 : i32
    %mul3A_1 = arith.constant 25600 : i32
    %mul3A_2 = arith.muli %add3A, %mul3A_1 : i32
    "tpu.region"() ({
      %run_scoped3A = tpu.sem_alloc : memref<!tpu.dma_semaphore, #tpu.memory_space<semaphore_mem>>
      %dma_start3A_141 = tpu.memref_slice %arg2[%mul3A_2] : memref<819200xi32, #tpu.memory_space<hbm>> -> memref<25600xi32, #tpu.memory_space<hbm>>
      %dma_start3A_142 = tpu.memref_slice %arg2[%mul3A_2] : memref<819200xi32, #tpu.memory_space<hbm>> -> memref<25600xi32, #tpu.memory_space<hbm>>
      tpu.enqueue_dma source(%dma_start3A_142 : memref<25600xi32, #tpu.memory_space<hbm>>) target(%arg5 : memref<25600xi32, #tpu.memory_space<vmem>>) target_semaphore(%run_scoped3A : memref<!tpu.dma_semaphore, #tpu.memory_space<semaphore_mem>>)
      %dma_wait3A_143 = tpu.memref_slice %arg2[%mul3A_2] : memref<819200xi32, #tpu.memory_space<hbm>> -> memref<25600xi32, #tpu.memory_space<hbm>>
      %dma_wait3A_144 = tpu.memref_slice %arg2[%mul3A_2] : memref<819200xi32, #tpu.memory_space<hbm>> -> memref<25600xi32, #tpu.memory_space<hbm>>
      tpu.wait_dma2 semaphore(%run_scoped3A : memref<!tpu.dma_semaphore, #tpu.memory_space<semaphore_mem>>) src(%dma_wait3A_144 : memref<25600xi32, #tpu.memory_space<hbm>>) dst(%arg5 : memref<25600xi32, #tpu.memory_space<vmem>>)
      tpu.yield
    }) : () -> ()
    %iota3A = tpu.iota {dimensions = array<i32: 0>} : vector<16xi32>
    %scan3A = arith.constant 0 : i32
    %scan3A_3 = arith.constant 0 : i32
    %scan3A_4 = arith.constant 400 : i32
    %scan3A_5 = arith.addi %scan3A_3, %scan3A_4 : i32
    %scan3A_6 = arith.constant 1 : i32
    scf.for %scan3A_141 = %scan3A_3 to %scan3A_5 step %scan3A_6  : i32 {
      %mul3A_142 = arith.constant 4 : i32
      %mul3A_143 = arith.muli %scan3A_141, %mul3A_142 : i32
      %add3A_144 = arith.constant 0 : i32
      %add3A_145 = arith.addi %mul3A_143, %add3A_144 : i32
      %mul3A_146 = arith.constant 16 : i32
      %mul3A_147 = arith.muli %add3A_145, %mul3A_146 : i32
      %get3A = arith.index_cast %mul3A_147 : i32 to index
      %get3A_148 = tpu.vector_load %arg5[%get3A] {strides = array<i32>} : memref<25600xi32, #tpu.memory_space<vmem>>, vector<16xi32>,
      %and3A_149 = arith.constant -32768 : i32
      %and3A_150 = vector.broadcast %and3A_149 : i32 to vector<16xi32>
      %and3A_151 = arith.andi %get3A_148, %and3A_150 : vector<16xi32>
      %and3A_152 = arith.constant 8191 : i32
      %and3A_153 = vector.broadcast %and3A_152 : i32 to vector<16xi32>
      %and3A_154 = arith.andi %get3A_148, %and3A_153 : vector<16xi32>
      %shift_left3A = arith.constant 2 : i32
      %shift_left3A_155 = vector.broadcast %shift_left3A : i32 to vector<16xi32>
      %shift_left3A_156 = arith.shli %and3A_154, %shift_left3A_155 : vector<16xi32>
      %or3A = arith.ori %and3A_151, %shift_left3A_156 : vector<16xi32>
      %shift_right_arithmetic3A_157 = arith.constant 13 : i32
      %shift_right_arithmetic3A_158 = vector.broadcast %shift_right_arithmetic3A_157 : i32 to vector<16xi32>
      %shift_right_arithmetic3A_159 = arith.shrsi %get3A_148, %shift_right_arithmetic3A_158 : vector<16xi32>
      %and3A_160 = arith.constant 3 : i32
      %and3A_161 = vector.broadcast %and3A_160 : i32 to vector<16xi32>
      %and3A_162 = arith.andi %shift_right_arithmetic3A_159, %and3A_161 : vector<16xi32>
      %or3A_163 = arith.ori %or3A, %and3A_162 : vector<16xi32>
      %swap3A = arith.index_cast %mul3A_147 : i32 to index
      %swap3A_164 = tpu.vector_load %arg5[%swap3A] {strides = array<i32>} : memref<25600xi32, #tpu.memory_space<vmem>>, vector<16xi32>,
      tpu.vector_store %arg5[%swap3A], %or3A_163 {strides = array<i32>} : memref<25600xi32, #tpu.memory_space<vmem>>, vector<16xi32>,
      %mul3A_165 = arith.constant 4 : i32
      %mul3A_166 = arith.muli %scan3A_141, %mul3A_165 : i32
      %add3A_167 = arith.constant 1 : i32
      %add3A_168 = arith.addi %mul3A_166, %add3A_167 : i32
      %mul3A_169 = arith.constant 16 : i32
      %mul3A_170 = arith.muli %add3A_168, %mul3A_169 : i32
      %get3A_171 = arith.index_cast %mul3A_170 : i32 to index
      %get3A_172 = tpu.vector_load %arg5[%get3A_171] {strides = array<i32>} : memref<25600xi32, #tpu.memory_space<vmem>>, vector<16xi32>,
      %and3A_173 = arith.constant -32768 : i32
      %and3A_174 = vector.broadcast %and3A_173 : i32 to vector<16xi32>
      %and3A_175 = arith.andi %get3A_172, %and3A_174 : vector<16xi32>
      %and3A_176 = arith.constant 8191 : i32
      %and3A_177 = vector.broadcast %and3A_176 : i32 to vector<16xi32>
      %and3A_178 = arith.andi %get3A_172, %and3A_177 : vector<16xi32>
      %shift_left3A_179 = arith.constant 2 : i32
      %shift_left3A_180 = vector.broadcast %shift_left3A_179 : i32 to vector<16xi32>
      %shift_left3A_181 = arith.shli %and3A_178, %shift_left3A_180 : vector<16xi32>
      %or3A_182 = arith.ori %and3A_175, %shift_left3A_181 : vector<16xi32>
      %shift_right_arithmetic3A_183 = arith.constant 13 : i32
      %shift_right_arithmetic3A_184 = vector.broadcast %shift_right_arithmetic3A_183 : i32 to vector<16xi32>
      %shift_right_arithmetic3A_185 = arith.shrsi %get3A_172, %shift_right_arithmetic3A_184 : vector<16xi32>
      %and3A_186 = arith.constant 3 : i32
      %and3A_187 = vector.broadcast %and3A_186 : i32 to vector<16xi32>
      %and3A_188 = arith.andi %shift_right_arithmetic3A_185, %and3A_187 : vector<16xi32>
      %or3A_189 = arith.ori %or3A_182, %and3A_188 : vector<16xi32>
      %swap3A_190 = arith.index_cast %mul3A_170 : i32 to index
      %swap3A_191 = tpu.vector_load %arg5[%swap3A_190] {strides = array<i32>} : memref<25600xi32, #tpu.memory_space<vmem>>, vector<16xi32>,
      tpu.vector_store %arg5[%swap3A_190], %or3A_189 {strides = array<i32>} : memref<25600xi32, #tpu.memory_space<vmem>>, vector<16xi32>,
      %mul3A_192 = arith.constant 4 : i32
      %mul3A_193 = arith.muli %scan3A_141, %mul3A_192 : i32
      %add3A_194 = arith.constant 2 : i32
      %add3A_195 = arith.addi %mul3A_193, %add3A_194 : i32
      %mul3A_196 = arith.constant 16 : i32
      %mul3A_197 = arith.muli %add3A_195, %mul3A_196 : i32
      %get3A_198 = arith.index_cast %mul3A_197 : i32 to index
      %get3A_199 = tpu.vector_load %arg5[%get3A_198] {strides = array<i32>} : memref<25600xi32, #tpu.memory_space<vmem>>, vector<16xi32>,
      %and3A_200 = arith.constant -32768 : i32
      %and3A_201 = vector.broadcast %and3A_200 : i32 to vector<16xi32>
      %and3A_202 = arith.andi %get3A_199, %and3A_201 : vector<16xi32>
      %and3A_203 = arith.constant 8191 : i32
      %and3A_204 = vector.broadcast %and3A_203 : i32 to vector<16xi32>
      %and3A_205 = arith.andi %get3A_199, %and3A_204 : vector<16xi32>
      %shift_left3A_206 = arith.constant 2 : i32
      %shift_left3A_207 = vector.broadcast %shift_left3A_206 : i32 to vector<16xi32>
      %shift_left3A_208 = arith.shli %and3A_205, %shift_left3A_207 : vector<16xi32>
      %or3A_209 = arith.ori %and3A_202, %shift_left3A_208 : vector<16xi32>
      %shift_right_arithmetic3A_210 = arith.constant 13 : i32
      %shift_right_arithmetic3A_211 = vector.broadcast %shift_right_arithmetic3A_210 : i32 to vector<16xi32>
      %shift_right_arithmetic3A_212 = arith.shrsi %get3A_199, %shift_right_arithmetic3A_211 : vector<16xi32>
      %and3A_213 = arith.constant 3 : i32
      %and3A_214 = vector.broadcast %and3A_213 : i32 to vector<16xi32>
      %and3A_215 = arith.andi %shift_right_arithmetic3A_212, %and3A_214 : vector<16xi32>
      %or3A_216 = arith.ori %or3A_209, %and3A_215 : vector<16xi32>
      %swap3A_217 = arith.index_cast %mul3A_197 : i32 to index
      %swap3A_218 = tpu.vector_load %arg5[%swap3A_217] {strides = array<i32>} : memref<25600xi32, #tpu.memory_space<vmem>>, vector<16xi32>,
      tpu.vector_store %arg5[%swap3A_217], %or3A_216 {strides = array<i32>} : memref<25600xi32, #tpu.memory_space<vmem>>, vector<16xi32>,
      %mul3A_219 = arith.constant 4 : i32
      %mul3A_220 = arith.muli %scan3A_141, %mul3A_219 : i32
      %add3A_221 = arith.constant 3 : i32
      %add3A_222 = arith.addi %mul3A_220, %add3A_221 : i32
      %mul3A_223 = arith.constant 16 : i32
      %mul3A_224 = arith.muli %add3A_222, %mul3A_223 : i32
      %get3A_225 = arith.index_cast %mul3A_224 : i32 to index
      %get3A_226 = tpu.vector_load %arg5[%get3A_225] {strides = array<i32>} : memref<25600xi32, #tpu.memory_space<vmem>>, vector<16xi32>,
      %and3A_227 = arith.constant -32768 : i32
      %and3A_228 = vector.broadcast %and3A_227 : i32 to vector<16xi32>
      %and3A_229 = arith.andi %get3A_226, %and3A_228 : vector<16xi32>
      %and3A_230 = arith.constant 8191 : i32
      %and3A_231 = vector.broadcast %and3A_230 : i32 to vector<16xi32>
      %and3A_232 = arith.andi %get3A_226, %and3A_231 : vector<16xi32>
      %shift_left3A_233 = arith.constant 2 : i32
      %shift_left3A_234 = vector.broadcast %shift_left3A_233 : i32 to vector<16xi32>
      %shift_left3A_235 = arith.shli %and3A_232, %shift_left3A_234 : vector<16xi32>
      %or3A_236 = arith.ori %and3A_229, %shift_left3A_235 : vector<16xi32>
      %shift_right_arithmetic3A_237 = arith.constant 13 : i32
      %shift_right_arithmetic3A_238 = vector.broadcast %shift_right_arithmetic3A_237 : i32 to vector<16xi32>
      %shift_right_arithmetic3A_239 = arith.shrsi %get3A_226, %shift_right_arithmetic3A_238 : vector<16xi32>
      %and3A_240 = arith.constant 3 : i32
      %and3A_241 = vector.broadcast %and3A_240 : i32 to vector<16xi32>
      %and3A_242 = arith.andi %shift_right_arithmetic3A_239, %and3A_241 : vector<16xi32>
      %or3A_243 = arith.ori %or3A_236, %and3A_242 : vector<16xi32>
      %swap3A_244 = arith.index_cast %mul3A_224 : i32 to index
      %swap3A_245 = tpu.vector_load %arg5[%swap3A_244] {strides = array<i32>} : memref<25600xi32, #tpu.memory_space<vmem>>, vector<16xi32>,
      tpu.vector_store %arg5[%swap3A_244], %or3A_243 {strides = array<i32>} : memref<25600xi32, #tpu.memory_space<vmem>>, vector<16xi32>,
    }
    %scan3A_7 = arith.constant 400 : i32
    %shift_right_arithmetic3A = arith.constant 3 : i32
    %shift_right_arithmetic3A_8 = vector.broadcast %shift_right_arithmetic3A : i32 to vector<16xi32>
    %shift_right_arithmetic3A_9 = arith.shrsi %iota3A, %shift_right_arithmetic3A_8 : vector<16xi32>
    %and3A = arith.constant 7 : i32
    %and3A_10 = vector.broadcast %and3A : i32 to vector<16xi32>
    %and3A_11 = arith.andi %iota3A, %and3A_10 : vector<16xi32>
    %add3A_12 = arith.constant 2 : i32
    %add3A_13 = vector.broadcast %add3A_12 : i32 to vector<16xi32>
    %add3A_14 = arith.addi %shift_right_arithmetic3A_9, %add3A_13 : vector<16xi32>
    %dma_start3A = arith.constant 0 : i32
    %dma_start3A_15 = tpu.memref_slice %arg5[%dma_start3A] : memref<25600xi32, #tpu.memory_space<vmem>> -> memref<512xi32, #tpu.memory_space<vmem>>
    %dma_start3A_16 = arith.constant 0 : i32
    %dma_start3A_17 = arith.constant 0 : i32
    %dma_start3A_18 = tpu.memref_slice %arg3[%dma_start3A_16, %dma_start3A_17] : memref<1015808x32xf32, #tpu.memory_space<hbm>> -> memref<1015808x32xf32, #tpu.memory_space<hbm>>
    tpu.enqueue_indirect_dma source(%dma_start3A_18 : memref<1015808x32xf32, #tpu.memory_space<hbm>>) target(%arg6 : memref<512x32xf32, #tpu.memory_space<vmem>>) offsets(%dma_start3A_15 : memref<512xi32, #tpu.memory_space<vmem>>) semaphore(%arg12 : memref<!tpu.dma_semaphore, #tpu.memory_space<semaphore_mem>>)
    %dma_start3A_19 = arith.constant 512 : i32
    %dma_start3A_20 = tpu.memref_slice %arg5[%dma_start3A_19] : memref<25600xi32, #tpu.memory_space<vmem>> -> memref<512xi32, #tpu.memory_space<vmem>>
    %dma_start3A_21 = arith.constant 0 : i32
    %dma_start3A_22 = arith.constant 0 : i32
    %dma_start3A_23 = tpu.memref_slice %arg3[%dma_start3A_21, %dma_start3A_22] : memref<1015808x32xf32, #tpu.memory_space<hbm>> -> memref<1015808x32xf32, #tpu.memory_space<hbm>>
    tpu.enqueue_indirect_dma source(%dma_start3A_23 : memref<1015808x32xf32, #tpu.memory_space<hbm>>) target(%arg7 : memref<512x32xf32, #tpu.memory_space<vmem>>) offsets(%dma_start3A_20 : memref<512xi32, #tpu.memory_space<vmem>>) semaphore(%arg13 : memref<!tpu.dma_semaphore, #tpu.memory_space<semaphore_mem>>)
    %scan3A_24 = arith.constant 0 : i32
    %scan3A_25 = arith.constant 0 : i32
    %scan3A_26 = arith.constant 25 : i32
    %scan3A_27 = arith.addi %scan3A_25, %scan3A_26 : i32
    %scan3A_28 = arith.constant 1 : i32
    scf.for %scan3A_141 = %scan3A_25 to %scan3A_27 step %scan3A_28  : i32 {
      %mul3A_142 = arith.constant 2 : i32
      %mul3A_143 = arith.muli %scan3A_141, %mul3A_142 : i32
      %add3A_144 = arith.constant 0 : i32
      %add3A_145 = arith.addi %mul3A_143, %add3A_144 : i32
      %mul3A_146 = arith.constant 512 : i32
      %mul3A_147 = arith.muli %add3A_145, %mul3A_146 : i32
      %dma_wait3A_148 = tpu.memref_slice %arg5[%mul3A_147] : memref<25600xi32, #tpu.memory_space<vmem>> -> memref<512xi32, #tpu.memory_space<vmem>>
      %dma_wait3A_149 = arith.constant 0 : i32
      %dma_wait3A_150 = arith.constant 0 : i32
      %dma_wait3A_151 = tpu.memref_slice %arg3[%dma_wait3A_149, %dma_wait3A_150] : memref<1015808x32xf32, #tpu.memory_space<hbm>> -> memref<1015808x32xf32, #tpu.memory_space<hbm>>
      tpu.wait_indirect_dma semaphore(%arg12 : memref<!tpu.dma_semaphore, #tpu.memory_space<semaphore_mem>>) src(%dma_wait3A_151 : memref<1015808x32xf32, #tpu.memory_space<hbm>>) dst(%arg6 : memref<512x32xf32, #tpu.memory_space<vmem>>)
      %mul3A_152 = arith.constant 200 : i32
      %mul3A_153 = arith.muli %add3A, %mul3A_152 : i32
      %mul3A_154 = arith.constant 4 : i32
      %mul3A_155 = arith.muli %add3A_145, %mul3A_154 : i32
      %add3A_156 = arith.addi %mul3A_153, %mul3A_155 : i32
      %gt3A = arith.constant 0 : i32
      %gt3A_157 = arith.cmpi sgt, %add3A_145, %gt3A : i32
      %convert_element_type3A = arith.extui %gt3A_157 : i1 to i32
      %cond3A = arith.constant 0 : i32
      %cond3A_158 = arith.cmpi ne, %convert_element_type3A, %cond3A : i32
      scf.if %cond3A_158 {
        %add3A_500 = arith.constant 0 : i32
        %add3A_501 = arith.addi %add3A_156, %add3A_500 : i32
        %shift_right_arithmetic3A_502 = arith.constant 5 : i32
        %shift_right_arithmetic3A_503 = arith.shrsi %add3A_501, %shift_right_arithmetic3A_502 : i32
        %and3A_504 = arith.constant 31 : i32
        %and3A_505 = arith.andi %add3A_501, %and3A_504 : i32
        %dma_wait3A_506 = arith.constant 0 : i32
        %dma_wait3A_507 = arith.constant 0 : i32
        %dma_wait3A_508 = arith.constant 0 : i32
        %dma_wait3A_509 = tpu.memref_slice %arg8[%dma_wait3A_506, %dma_wait3A_507, %dma_wait3A_508] : memref<4x8x129xf32, #tpu.memory_space<vmem>> -> memref<4x8x128xf32, #tpu.memory_space<vmem>>
        %dma_wait3A_510 = arith.constant 0 : i32
        %dma_wait3A_511 = arith.constant 0 : i32
        %dma_wait3A_512 = arith.constant 0 : i32
        %dma_wait3A_513 = tpu.memref_slice %arg4[%shift_right_arithmetic3A_503, %dma_wait3A_510, %and3A_505, %dma_wait3A_511, %dma_wait3A_512] : memref<200x4x32x8x128xf32, #tpu.memory_space<hbm>> -> memref<1x4x1x8x128xf32, #tpu.memory_space<hbm>>
        %dma_wait3A_514 = tpu.memref_squeeze %dma_wait3A_513 : memref<1x4x1x8x128xf32, #tpu.memory_space<hbm>> -> memref<4x8x128xf32, #tpu.memory_space<hbm>>
        %dma_wait3A_515 = arith.constant 0 : i32
        %dma_wait3A_516 = arith.constant 0 : i32
        %dma_wait3A_517 = arith.constant 0 : i32
        %dma_wait3A_518 = tpu.memref_slice %arg4[%shift_right_arithmetic3A_503, %dma_wait3A_515, %and3A_505, %dma_wait3A_516, %dma_wait3A_517] : memref<200x4x32x8x128xf32, #tpu.memory_space<hbm>> -> memref<1x4x1x8x128xf32, #tpu.memory_space<hbm>>
        %dma_wait3A_519 = tpu.memref_squeeze %dma_wait3A_518 : memref<1x4x1x8x128xf32, #tpu.memory_space<hbm>> -> memref<4x8x128xf32, #tpu.memory_space<hbm>>
        %dma_wait3A_520 = arith.constant 0 : i32
        %dma_wait3A_521 = arith.constant 0 : i32
        %dma_wait3A_522 = arith.constant 0 : i32
        %dma_wait3A_523 = tpu.memref_slice %arg8[%dma_wait3A_520, %dma_wait3A_521, %dma_wait3A_522] : memref<4x8x129xf32, #tpu.memory_space<vmem>> -> memref<4x8x128xf32, #tpu.memory_space<vmem>>
        tpu.wait_dma2 semaphore(%arg14 : memref<!tpu.dma_semaphore, #tpu.memory_space<semaphore_mem>>) src(%dma_wait3A_523 : memref<4x8x128xf32, #tpu.memory_space<vmem>>) dst(%dma_wait3A_519 : memref<4x8x128xf32, #tpu.memory_space<hbm>>)
      } else {
      }
      %gt3A_159 = arith.constant 0 : i32
      %gt3A_160 = arith.cmpi sgt, %add3A_145, %gt3A_159 : i32
      %convert_element_type3A_161 = arith.extui %gt3A_160 : i1 to i32
      %cond3A_162 = arith.constant 0 : i32
      %cond3A_163 = arith.cmpi ne, %convert_element_type3A_161, %cond3A_162 : i32
      scf.if %cond3A_163 {
        %add3A_500 = arith.constant 1 : i32
        %add3A_501 = arith.addi %add3A_156, %add3A_500 : i32
        %shift_right_arithmetic3A_502 = arith.constant 5 : i32
        %shift_right_arithmetic3A_503 = arith.shrsi %add3A_501, %shift_right_arithmetic3A_502 : i32
        %and3A_504 = arith.constant 31 : i32
        %and3A_505 = arith.andi %add3A_501, %and3A_504 : i32
        %dma_wait3A_506 = arith.constant 0 : i32
        %dma_wait3A_507 = arith.constant 0 : i32
        %dma_wait3A_508 = arith.constant 0 : i32
        %dma_wait3A_509 = tpu.memref_slice %arg9[%dma_wait3A_506, %dma_wait3A_507, %dma_wait3A_508] : memref<4x8x129xf32, #tpu.memory_space<vmem>> -> memref<4x8x128xf32, #tpu.memory_space<vmem>>
        %dma_wait3A_510 = arith.constant 0 : i32
        %dma_wait3A_511 = arith.constant 0 : i32
        %dma_wait3A_512 = arith.constant 0 : i32
        %dma_wait3A_513 = tpu.memref_slice %arg4[%shift_right_arithmetic3A_503, %dma_wait3A_510, %and3A_505, %dma_wait3A_511, %dma_wait3A_512] : memref<200x4x32x8x128xf32, #tpu.memory_space<hbm>> -> memref<1x4x1x8x128xf32, #tpu.memory_space<hbm>>
        %dma_wait3A_514 = tpu.memref_squeeze %dma_wait3A_513 : memref<1x4x1x8x128xf32, #tpu.memory_space<hbm>> -> memref<4x8x128xf32, #tpu.memory_space<hbm>>
        %dma_wait3A_515 = arith.constant 0 : i32
        %dma_wait3A_516 = arith.constant 0 : i32
        %dma_wait3A_517 = arith.constant 0 : i32
        %dma_wait3A_518 = tpu.memref_slice %arg4[%shift_right_arithmetic3A_503, %dma_wait3A_515, %and3A_505, %dma_wait3A_516, %dma_wait3A_517] : memref<200x4x32x8x128xf32, #tpu.memory_space<hbm>> -> memref<1x4x1x8x128xf32, #tpu.memory_space<hbm>>
        %dma_wait3A_519 = tpu.memref_squeeze %dma_wait3A_518 : memref<1x4x1x8x128xf32, #tpu.memory_space<hbm>> -> memref<4x8x128xf32, #tpu.memory_space<hbm>>
        %dma_wait3A_520 = arith.constant 0 : i32
        %dma_wait3A_521 = arith.constant 0 : i32
        %dma_wait3A_522 = arith.constant 0 : i32
        %dma_wait3A_523 = tpu.memref_slice %arg9[%dma_wait3A_520, %dma_wait3A_521, %dma_wait3A_522] : memref<4x8x129xf32, #tpu.memory_space<vmem>> -> memref<4x8x128xf32, #tpu.memory_space<vmem>>
        tpu.wait_dma2 semaphore(%arg15 : memref<!tpu.dma_semaphore, #tpu.memory_space<semaphore_mem>>) src(%dma_wait3A_523 : memref<4x8x128xf32, #tpu.memory_space<vmem>>) dst(%dma_wait3A_519 : memref<4x8x128xf32, #tpu.memory_space<hbm>>)
      } else {
      }
      %gt3A_164 = arith.constant 0 : i32
      %gt3A_165 = arith.cmpi sgt, %add3A_145, %gt3A_164 : i32
      %convert_element_type3A_166 = arith.extui %gt3A_165 : i1 to i32
      %cond3A_167 = arith.constant 0 : i32
      %cond3A_168 = arith.cmpi ne, %convert_element_type3A_166, %cond3A_167 : i32
      scf.if %cond3A_168 {
        %add3A_500 = arith.constant 2 : i32
        %add3A_501 = arith.addi %add3A_156, %add3A_500 : i32
        %shift_right_arithmetic3A_502 = arith.constant 5 : i32
        %shift_right_arithmetic3A_503 = arith.shrsi %add3A_501, %shift_right_arithmetic3A_502 : i32
        %and3A_504 = arith.constant 31 : i32
        %and3A_505 = arith.andi %add3A_501, %and3A_504 : i32
        %dma_wait3A_506 = arith.constant 0 : i32
        %dma_wait3A_507 = arith.constant 0 : i32
        %dma_wait3A_508 = arith.constant 0 : i32
        %dma_wait3A_509 = tpu.memref_slice %arg10[%dma_wait3A_506, %dma_wait3A_507, %dma_wait3A_508] : memref<4x8x129xf32, #tpu.memory_space<vmem>> -> memref<4x8x128xf32, #tpu.memory_space<vmem>>
        %dma_wait3A_510 = arith.constant 0 : i32
        %dma_wait3A_511 = arith.constant 0 : i32
        %dma_wait3A_512 = arith.constant 0 : i32
        %dma_wait3A_513 = tpu.memref_slice %arg4[%shift_right_arithmetic3A_503, %dma_wait3A_510, %and3A_505, %dma_wait3A_511, %dma_wait3A_512] : memref<200x4x32x8x128xf32, #tpu.memory_space<hbm>> -> memref<1x4x1x8x128xf32, #tpu.memory_space<hbm>>
        %dma_wait3A_514 = tpu.memref_squeeze %dma_wait3A_513 : memref<1x4x1x8x128xf32, #tpu.memory_space<hbm>> -> memref<4x8x128xf32, #tpu.memory_space<hbm>>
        %dma_wait3A_515 = arith.constant 0 : i32
        %dma_wait3A_516 = arith.constant 0 : i32
        %dma_wait3A_517 = arith.constant 0 : i32
        %dma_wait3A_518 = tpu.memref_slice %arg4[%shift_right_arithmetic3A_503, %dma_wait3A_515, %and3A_505, %dma_wait3A_516, %dma_wait3A_517] : memref<200x4x32x8x128xf32, #tpu.memory_space<hbm>> -> memref<1x4x1x8x128xf32, #tpu.memory_space<hbm>>
        %dma_wait3A_519 = tpu.memref_squeeze %dma_wait3A_518 : memref<1x4x1x8x128xf32, #tpu.memory_space<hbm>> -> memref<4x8x128xf32, #tpu.memory_space<hbm>>
        %dma_wait3A_520 = arith.constant 0 : i32
        %dma_wait3A_521 = arith.constant 0 : i32
        %dma_wait3A_522 = arith.constant 0 : i32
        %dma_wait3A_523 = tpu.memref_slice %arg10[%dma_wait3A_520, %dma_wait3A_521, %dma_wait3A_522] : memref<4x8x129xf32, #tpu.memory_space<vmem>> -> memref<4x8x128xf32, #tpu.memory_space<vmem>>
        tpu.wait_dma2 semaphore(%arg16 : memref<!tpu.dma_semaphore, #tpu.memory_space<semaphore_mem>>) src(%dma_wait3A_523 : memref<4x8x128xf32, #tpu.memory_space<vmem>>) dst(%dma_wait3A_519 : memref<4x8x128xf32, #tpu.memory_space<hbm>>)
      } else {
      }
      %gt3A_169 = arith.constant 0 : i32
      %gt3A_170 = arith.cmpi sgt, %add3A_145, %gt3A_169 : i32
      %convert_element_type3A_171 = arith.extui %gt3A_170 : i1 to i32
      %cond3A_172 = arith.constant 0 : i32
      %cond3A_173 = arith.cmpi ne, %convert_element_type3A_171, %cond3A_172 : i32
      scf.if %cond3A_173 {
        %add3A_500 = arith.constant 3 : i32
        %add3A_501 = arith.addi %add3A_156, %add3A_500 : i32
        %shift_right_arithmetic3A_502 = arith.constant 5 : i32
        %shift_right_arithmetic3A_503 = arith.shrsi %add3A_501, %shift_right_arithmetic3A_502 : i32
        %and3A_504 = arith.constant 31 : i32
        %and3A_505 = arith.andi %add3A_501, %and3A_504 : i32
        %dma_wait3A_506 = arith.constant 0 : i32
        %dma_wait3A_507 = arith.constant 0 : i32
        %dma_wait3A_508 = arith.constant 0 : i32
        %dma_wait3A_509 = tpu.memref_slice %arg11[%dma_wait3A_506, %dma_wait3A_507, %dma_wait3A_508] : memref<4x8x129xf32, #tpu.memory_space<vmem>> -> memref<4x8x128xf32, #tpu.memory_space<vmem>>
        %dma_wait3A_510 = arith.constant 0 : i32
        %dma_wait3A_511 = arith.constant 0 : i32
        %dma_wait3A_512 = arith.constant 0 : i32
        %dma_wait3A_513 = tpu.memref_slice %arg4[%shift_right_arithmetic3A_503, %dma_wait3A_510, %and3A_505, %dma_wait3A_511, %dma_wait3A_512] : memref<200x4x32x8x128xf32, #tpu.memory_space<hbm>> -> memref<1x4x1x8x128xf32, #tpu.memory_space<hbm>>
        %dma_wait3A_514 = tpu.memref_squeeze %dma_wait3A_513 : memref<1x4x1x8x128xf32, #tpu.memory_space<hbm>> -> memref<4x8x128xf32, #tpu.memory_space<hbm>>
        %dma_wait3A_515 = arith.constant 0 : i32
        %dma_wait3A_516 = arith.constant 0 : i32
        %dma_wait3A_517 = arith.constant 0 : i32
        %dma_wait3A_518 = tpu.memref_slice %arg4[%shift_right_arithmetic3A_503, %dma_wait3A_515, %and3A_505, %dma_wait3A_516, %dma_wait3A_517] : memref<200x4x32x8x128xf32, #tpu.memory_space<hbm>> -> memref<1x4x1x8x128xf32, #tpu.memory_space<hbm>>
        %dma_wait3A_519 = tpu.memref_squeeze %dma_wait3A_518 : memref<1x4x1x8x128xf32, #tpu.memory_space<hbm>> -> memref<4x8x128xf32, #tpu.memory_space<hbm>>
        %dma_wait3A_520 = arith.constant 0 : i32
        %dma_wait3A_521 = arith.constant 0 : i32
        %dma_wait3A_522 = arith.constant 0 : i32
        %dma_wait3A_523 = tpu.memref_slice %arg11[%dma_wait3A_520, %dma_wait3A_521, %dma_wait3A_522] : memref<4x8x129xf32, #tpu.memory_space<vmem>> -> memref<4x8x128xf32, #tpu.memory_space<vmem>>
        tpu.wait_dma2 semaphore(%arg17 : memref<!tpu.dma_semaphore, #tpu.memory_space<semaphore_mem>>) src(%dma_wait3A_523 : memref<4x8x128xf32, #tpu.memory_space<vmem>>) dst(%dma_wait3A_519 : memref<4x8x128xf32, #tpu.memory_space<hbm>>)
      } else {
      }
      %scan3A_174 = arith.constant 0 : i32
      %scan3A_175 = arith.constant 0 : i32
      %scan3A_176 = arith.constant 128 : i32
      %scan3A_177 = arith.addi %scan3A_175, %scan3A_176 : i32
      %scan3A_178 = arith.constant 1 : i32
      scf.for %scan3A_500 = %scan3A_175 to %scan3A_177 step %scan3A_178  : i32 {
        %broadcast_in_dim3A = arith.constant 0 : i32
        %broadcast_in_dim3A_501 = vector.broadcast %broadcast_in_dim3A : i32 to vector<16xi32>
        %add3A_502 = vector.broadcast %scan3A_500 : i32 to vector<16xi32>
        %add3A_503 = arith.addi %broadcast_in_dim3A_501, %add3A_502 : vector<16xi32>
        %add3A_504 = arith.constant 0 : i32
        %add3A_505 = arith.addi %add3A_504, %scan3A_500 : i32
        %get3A = arith.index_cast %add3A_505 : i32 to index
        %get3A_506 = arith.constant 0 : index
        %get3A_507 = tpu.vector_load %arg6[%get3A, %get3A_506] {strides = array<i32>} : memref<512x32xf32, #tpu.memory_space<vmem>>, vector<16xf32>,
        %get3A_508 = arith.index_cast %add3A_505 : i32 to index
        %get3A_509 = arith.constant 16 : index
        %get3A_510 = tpu.vector_load %arg6[%get3A_508, %get3A_509] {strides = array<i32>} : memref<512x32xf32, #tpu.memory_space<vmem>>, vector<16xf32>,
        tpu.vector_store_idx %arg8[%shift_right_arithmetic3A_9, %and3A_11, %add3A_503], %get3A_507 : memref<4x8x129xf32, #tpu.memory_space<vmem>>[vector<16xi32>, vector<16xi32>, vector<16xi32>], vector<16xf32>,
        tpu.vector_store_idx %arg8[%add3A_14, %and3A_11, %add3A_503], %get3A_510 : memref<4x8x129xf32, #tpu.memory_space<vmem>>[vector<16xi32>, vector<16xi32>, vector<16xi32>], vector<16xf32>,
        %add3A_511 = arith.constant 128 : i32
        %add3A_512 = arith.addi %add3A_511, %scan3A_500 : i32
        %get3A_513 = arith.index_cast %add3A_512 : i32 to index
        %get3A_514 = arith.constant 0 : index
        %get3A_515 = tpu.vector_load %arg6[%get3A_513, %get3A_514] {strides = array<i32>} : memref<512x32xf32, #tpu.memory_space<vmem>>, vector<16xf32>,
        %get3A_516 = arith.index_cast %add3A_512 : i32 to index
        %get3A_517 = arith.constant 16 : index
        %get3A_518 = tpu.vector_load %arg6[%get3A_516, %get3A_517] {strides = array<i32>} : memref<512x32xf32, #tpu.memory_space<vmem>>, vector<16xf32>,
        tpu.vector_store_idx %arg9[%shift_right_arithmetic3A_9, %and3A_11, %add3A_503], %get3A_515 : memref<4x8x129xf32, #tpu.memory_space<vmem>>[vector<16xi32>, vector<16xi32>, vector<16xi32>], vector<16xf32>,
        tpu.vector_store_idx %arg9[%add3A_14, %and3A_11, %add3A_503], %get3A_518 : memref<4x8x129xf32, #tpu.memory_space<vmem>>[vector<16xi32>, vector<16xi32>, vector<16xi32>], vector<16xf32>,
        %add3A_519 = arith.constant 256 : i32
        %add3A_520 = arith.addi %add3A_519, %scan3A_500 : i32
        %get3A_521 = arith.index_cast %add3A_520 : i32 to index
        %get3A_522 = arith.constant 0 : index
        %get3A_523 = tpu.vector_load %arg6[%get3A_521, %get3A_522] {strides = array<i32>} : memref<512x32xf32, #tpu.memory_space<vmem>>, vector<16xf32>,
        %get3A_524 = arith.index_cast %add3A_520 : i32 to index
        %get3A_525 = arith.constant 16 : index
        %get3A_526 = tpu.vector_load %arg6[%get3A_524, %get3A_525] {strides = array<i32>} : memref<512x32xf32, #tpu.memory_space<vmem>>, vector<16xf32>,
        tpu.vector_store_idx %arg10[%shift_right_arithmetic3A_9, %and3A_11, %add3A_503], %get3A_523 : memref<4x8x129xf32, #tpu.memory_space<vmem>>[vector<16xi32>, vector<16xi32>, vector<16xi32>], vector<16xf32>,
        tpu.vector_store_idx %arg10[%add3A_14, %and3A_11, %add3A_503], %get3A_526 : memref<4x8x129xf32, #tpu.memory_space<vmem>>[vector<16xi32>, vector<16xi32>, vector<16xi32>], vector<16xf32>,
        %add3A_527 = arith.constant 384 : i32
        %add3A_528 = arith.addi %add3A_527, %scan3A_500 : i32
        %get3A_529 = arith.index_cast %add3A_528 : i32 to index
        %get3A_530 = arith.constant 0 : index
        %get3A_531 = tpu.vector_load %arg6[%get3A_529, %get3A_530] {strides = array<i32>} : memref<512x32xf32, #tpu.memory_space<vmem>>, vector<16xf32>,
        %get3A_532 = arith.index_cast %add3A_528 : i32 to index
        %get3A_533 = arith.constant 16 : index
        %get3A_534 = tpu.vector_load %arg6[%get3A_532, %get3A_533] {strides = array<i32>} : memref<512x32xf32, #tpu.memory_space<vmem>>, vector<16xf32>,
        tpu.vector_store_idx %arg11[%shift_right_arithmetic3A_9, %and3A_11, %add3A_503], %get3A_531 : memref<4x8x129xf32, #tpu.memory_space<vmem>>[vector<16xi32>, vector<16xi32>, vector<16xi32>], vector<16xf32>,
        tpu.vector_store_idx %arg11[%add3A_14, %and3A_11, %add3A_503], %get3A_534 : memref<4x8x129xf32, #tpu.memory_space<vmem>>[vector<16xi32>, vector<16xi32>, vector<16xi32>], vector<16xf32>,
      }
      %scan3A_179 = arith.constant 128 : i32
      %add3A_180 = arith.constant 0 : i32
      %add3A_181 = arith.addi %add3A_156, %add3A_180 : i32
      %shift_right_arithmetic3A_182 = arith.constant 5 : i32
      %shift_right_arithmetic3A_183 = arith.shrsi %add3A_181, %shift_right_arithmetic3A_182 : i32
      %and3A_184 = arith.constant 31 : i32
      %and3A_185 = arith.andi %add3A_181, %and3A_184 : i32
      %dma_start3A_186 = arith.constant 0 : i32
      %dma_start3A_187 = arith.constant 0 : i32
      %dma_start3A_188 = arith.constant 0 : i32
      %dma_start3A_189 = tpu.memref_slice %arg8[%dma_start3A_186, %dma_start3A_187, %dma_start3A_188] : memref<4x8x129xf32, #tpu.memory_space<vmem>> -> memref<4x8x128xf32, #tpu.memory_space<vmem>>
      %dma_start3A_190 = arith.constant 0 : i32
      %dma_start3A_191 = arith.constant 0 : i32
      %dma_start3A_192 = arith.constant 0 : i32
      %dma_start3A_193 = tpu.memref_slice %arg4[%shift_right_arithmetic3A_183, %dma_start3A_190, %and3A_185, %dma_start3A_191, %dma_start3A_192] : memref<200x4x32x8x128xf32, #tpu.memory_space<hbm>> -> memref<1x4x1x8x128xf32, #tpu.memory_space<hbm>>
      %dma_start3A_194 = tpu.memref_squeeze %dma_start3A_193 : memref<1x4x1x8x128xf32, #tpu.memory_space<hbm>> -> memref<4x8x128xf32, #tpu.memory_space<hbm>>
      %dma_start3A_195 = arith.constant 0 : i32
      %dma_start3A_196 = arith.constant 0 : i32
      %dma_start3A_197 = arith.constant 0 : i32
      %dma_start3A_198 = tpu.memref_slice %arg4[%shift_right_arithmetic3A_183, %dma_start3A_195, %and3A_185, %dma_start3A_196, %dma_start3A_197] : memref<200x4x32x8x128xf32, #tpu.memory_space<hbm>> -> memref<1x4x1x8x128xf32, #tpu.memory_space<hbm>>
      %dma_start3A_199 = tpu.memref_squeeze %dma_start3A_198 : memref<1x4x1x8x128xf32, #tpu.memory_space<hbm>> -> memref<4x8x128xf32, #tpu.memory_space<hbm>>
      %dma_start3A_200 = arith.constant 0 : i32
      %dma_start3A_201 = arith.constant 0 : i32
      %dma_start3A_202 = arith.constant 0 : i32
      %dma_start3A_203 = tpu.memref_slice %arg8[%dma_start3A_200, %dma_start3A_201, %dma_start3A_202] : memref<4x8x129xf32, #tpu.memory_space<vmem>> -> memref<4x8x128xf32, #tpu.memory_space<vmem>>
      tpu.enqueue_dma source(%dma_start3A_203 : memref<4x8x128xf32, #tpu.memory_space<vmem>>) target(%dma_start3A_199 : memref<4x8x128xf32, #tpu.memory_space<hbm>>) target_semaphore(%arg14 : memref<!tpu.dma_semaphore, #tpu.memory_space<semaphore_mem>>)
      %add3A_204 = arith.constant 1 : i32
      %add3A_205 = arith.addi %add3A_156, %add3A_204 : i32
      %shift_right_arithmetic3A_206 = arith.constant 5 : i32
      %shift_right_arithmetic3A_207 = arith.shrsi %add3A_205, %shift_right_arithmetic3A_206 : i32
      %and3A_208 = arith.constant 31 : i32
      %and3A_209 = arith.andi %add3A_205, %and3A_208 : i32
      %dma_start3A_210 = arith.constant 0 : i32
      %dma_start3A_211 = arith.constant 0 : i32
      %dma_start3A_212 = arith.constant 0 : i32
      %dma_start3A_213 = tpu.memref_slice %arg9[%dma_start3A_210, %dma_start3A_211, %dma_start3A_212] : memref<4x8x129xf32, #tpu.memory_space<vmem>> -> memref<4x8x128xf32, #tpu.memory_space<vmem>>
      %dma_start3A_214 = arith.constant 0 : i32
      %dma_start3A_215 = arith.constant 0 : i32
      %dma_start3A_216 = arith.constant 0 : i32
      %dma_start3A_217 = tpu.memref_slice %arg4[%shift_right_arithmetic3A_207, %dma_start3A_214, %and3A_209, %dma_start3A_215, %dma_start3A_216] : memref<200x4x32x8x128xf32, #tpu.memory_space<hbm>> -> memref<1x4x1x8x128xf32, #tpu.memory_space<hbm>>
      %dma_start3A_218 = tpu.memref_squeeze %dma_start3A_217 : memref<1x4x1x8x128xf32, #tpu.memory_space<hbm>> -> memref<4x8x128xf32, #tpu.memory_space<hbm>>
      %dma_start3A_219 = arith.constant 0 : i32
      %dma_start3A_220 = arith.constant 0 : i32
      %dma_start3A_221 = arith.constant 0 : i32
      %dma_start3A_222 = tpu.memref_slice %arg4[%shift_right_arithmetic3A_207, %dma_start3A_219, %and3A_209, %dma_start3A_220, %dma_start3A_221] : memref<200x4x32x8x128xf32, #tpu.memory_space<hbm>> -> memref<1x4x1x8x128xf32, #tpu.memory_space<hbm>>
      %dma_start3A_223 = tpu.memref_squeeze %dma_start3A_222 : memref<1x4x1x8x128xf32, #tpu.memory_space<hbm>> -> memref<4x8x128xf32, #tpu.memory_space<hbm>>
      %dma_start3A_224 = arith.constant 0 : i32
      %dma_start3A_225 = arith.constant 0 : i32
      %dma_start3A_226 = arith.constant 0 : i32
      %dma_start3A_227 = tpu.memref_slice %arg9[%dma_start3A_224, %dma_start3A_225, %dma_start3A_226] : memref<4x8x129xf32, #tpu.memory_space<vmem>> -> memref<4x8x128xf32, #tpu.memory_space<vmem>>
      tpu.enqueue_dma source(%dma_start3A_227 : memref<4x8x128xf32, #tpu.memory_space<vmem>>) target(%dma_start3A_223 : memref<4x8x128xf32, #tpu.memory_space<hbm>>) target_semaphore(%arg15 : memref<!tpu.dma_semaphore, #tpu.memory_space<semaphore_mem>>)
      %add3A_228 = arith.constant 2 : i32
      %add3A_229 = arith.addi %add3A_156, %add3A_228 : i32
      %shift_right_arithmetic3A_230 = arith.constant 5 : i32
      %shift_right_arithmetic3A_231 = arith.shrsi %add3A_229, %shift_right_arithmetic3A_230 : i32
      %and3A_232 = arith.constant 31 : i32
      %and3A_233 = arith.andi %add3A_229, %and3A_232 : i32
      %dma_start3A_234 = arith.constant 0 : i32
      %dma_start3A_235 = arith.constant 0 : i32
      %dma_start3A_236 = arith.constant 0 : i32
      %dma_start3A_237 = tpu.memref_slice %arg10[%dma_start3A_234, %dma_start3A_235, %dma_start3A_236] : memref<4x8x129xf32, #tpu.memory_space<vmem>> -> memref<4x8x128xf32, #tpu.memory_space<vmem>>
      %dma_start3A_238 = arith.constant 0 : i32
      %dma_start3A_239 = arith.constant 0 : i32
      %dma_start3A_240 = arith.constant 0 : i32
      %dma_start3A_241 = tpu.memref_slice %arg4[%shift_right_arithmetic3A_231, %dma_start3A_238, %and3A_233, %dma_start3A_239, %dma_start3A_240] : memref<200x4x32x8x128xf32, #tpu.memory_space<hbm>> -> memref<1x4x1x8x128xf32, #tpu.memory_space<hbm>>
      %dma_start3A_242 = tpu.memref_squeeze %dma_start3A_241 : memref<1x4x1x8x128xf32, #tpu.memory_space<hbm>> -> memref<4x8x128xf32, #tpu.memory_space<hbm>>
      %dma_start3A_243 = arith.constant 0 : i32
      %dma_start3A_244 = arith.constant 0 : i32
      %dma_start3A_245 = arith.constant 0 : i32
      %dma_start3A_246 = tpu.memref_slice %arg4[%shift_right_arithmetic3A_231, %dma_start3A_243, %and3A_233, %dma_start3A_244, %dma_start3A_245] : memref<200x4x32x8x128xf32, #tpu.memory_space<hbm>> -> memref<1x4x1x8x128xf32, #tpu.memory_space<hbm>>
      %dma_start3A_247 = tpu.memref_squeeze %dma_start3A_246 : memref<1x4x1x8x128xf32, #tpu.memory_space<hbm>> -> memref<4x8x128xf32, #tpu.memory_space<hbm>>
      %dma_start3A_248 = arith.constant 0 : i32
      %dma_start3A_249 = arith.constant 0 : i32
      %dma_start3A_250 = arith.constant 0 : i32
      %dma_start3A_251 = tpu.memref_slice %arg10[%dma_start3A_248, %dma_start3A_249, %dma_start3A_250] : memref<4x8x129xf32, #tpu.memory_space<vmem>> -> memref<4x8x128xf32, #tpu.memory_space<vmem>>
      tpu.enqueue_dma source(%dma_start3A_251 : memref<4x8x128xf32, #tpu.memory_space<vmem>>) target(%dma_start3A_247 : memref<4x8x128xf32, #tpu.memory_space<hbm>>) target_semaphore(%arg16 : memref<!tpu.dma_semaphore, #tpu.memory_space<semaphore_mem>>)
      %add3A_252 = arith.constant 3 : i32
      %add3A_253 = arith.addi %add3A_156, %add3A_252 : i32
      %shift_right_arithmetic3A_254 = arith.constant 5 : i32
      %shift_right_arithmetic3A_255 = arith.shrsi %add3A_253, %shift_right_arithmetic3A_254 : i32
      %and3A_256 = arith.constant 31 : i32
      %and3A_257 = arith.andi %add3A_253, %and3A_256 : i32
      %dma_start3A_258 = arith.constant 0 : i32
      %dma_start3A_259 = arith.constant 0 : i32
      %dma_start3A_260 = arith.constant 0 : i32
      %dma_start3A_261 = tpu.memref_slice %arg11[%dma_start3A_258, %dma_start3A_259, %dma_start3A_260] : memref<4x8x129xf32, #tpu.memory_space<vmem>> -> memref<4x8x128xf32, #tpu.memory_space<vmem>>
      %dma_start3A_262 = arith.constant 0 : i32
      %dma_start3A_263 = arith.constant 0 : i32
      %dma_start3A_264 = arith.constant 0 : i32
      %dma_start3A_265 = tpu.memref_slice %arg4[%shift_right_arithmetic3A_255, %dma_start3A_262, %and3A_257, %dma_start3A_263, %dma_start3A_264] : memref<200x4x32x8x128xf32, #tpu.memory_space<hbm>> -> memref<1x4x1x8x128xf32, #tpu.memory_space<hbm>>
      %dma_start3A_266 = tpu.memref_squeeze %dma_start3A_265 : memref<1x4x1x8x128xf32, #tpu.memory_space<hbm>> -> memref<4x8x128xf32, #tpu.memory_space<hbm>>
      %dma_start3A_267 = arith.constant 0 : i32
      %dma_start3A_268 = arith.constant 0 : i32
      %dma_start3A_269 = arith.constant 0 : i32
      %dma_start3A_270 = tpu.memref_slice %arg4[%shift_right_arithmetic3A_255, %dma_start3A_267, %and3A_257, %dma_start3A_268, %dma_start3A_269] : memref<200x4x32x8x128xf32, #tpu.memory_space<hbm>> -> memref<1x4x1x8x128xf32, #tpu.memory_space<hbm>>
      %dma_start3A_271 = tpu.memref_squeeze %dma_start3A_270 : memref<1x4x1x8x128xf32, #tpu.memory_space<hbm>> -> memref<4x8x128xf32, #tpu.memory_space<hbm>>
      %dma_start3A_272 = arith.constant 0 : i32
      %dma_start3A_273 = arith.constant 0 : i32
      %dma_start3A_274 = arith.constant 0 : i32
      %dma_start3A_275 = tpu.memref_slice %arg11[%dma_start3A_272, %dma_start3A_273, %dma_start3A_274] : memref<4x8x129xf32, #tpu.memory_space<vmem>> -> memref<4x8x128xf32, #tpu.memory_space<vmem>>
      tpu.enqueue_dma source(%dma_start3A_275 : memref<4x8x128xf32, #tpu.memory_space<vmem>>) target(%dma_start3A_271 : memref<4x8x128xf32, #tpu.memory_space<hbm>>) target_semaphore(%arg17 : memref<!tpu.dma_semaphore, #tpu.memory_space<semaphore_mem>>)
      %add3A_276 = arith.constant 2 : i32
      %add3A_277 = arith.addi %add3A_145, %add3A_276 : i32
      %lt3A = arith.constant 50 : i32
      %lt3A_278 = arith.cmpi slt, %add3A_277, %lt3A : i32
      %convert_element_type3A_279 = arith.extui %lt3A_278 : i1 to i32
      %cond3A_280 = arith.constant 0 : i32
      %cond3A_281 = arith.cmpi ne, %convert_element_type3A_279, %cond3A_280 : i32
      scf.if %cond3A_281 {
        %add3A_500 = arith.constant 2 : i32
        %add3A_501 = arith.addi %add3A_145, %add3A_500 : i32
        %mul3A_502 = arith.constant 512 : i32
        %mul3A_503 = arith.muli %add3A_501, %mul3A_502 : i32
        %dma_start3A_504 = tpu.memref_slice %arg5[%mul3A_503] : memref<25600xi32, #tpu.memory_space<vmem>> -> memref<512xi32, #tpu.memory_space<vmem>>
        %dma_start3A_505 = arith.constant 0 : i32
        %dma_start3A_506 = arith.constant 0 : i32
        %dma_start3A_507 = tpu.memref_slice %arg3[%dma_start3A_505, %dma_start3A_506] : memref<1015808x32xf32, #tpu.memory_space<hbm>> -> memref<1015808x32xf32, #tpu.memory_space<hbm>>
        tpu.enqueue_indirect_dma source(%dma_start3A_507 : memref<1015808x32xf32, #tpu.memory_space<hbm>>) target(%arg6 : memref<512x32xf32, #tpu.memory_space<vmem>>) offsets(%dma_start3A_504 : memref<512xi32, #tpu.memory_space<vmem>>) semaphore(%arg12 : memref<!tpu.dma_semaphore, #tpu.memory_space<semaphore_mem>>)
      } else {
      }
      %add3A_282 = arith.constant 1 : i32
      %add3A_283 = arith.addi %mul3A_143, %add3A_282 : i32
      %mul3A_284 = arith.constant 512 : i32
      %mul3A_285 = arith.muli %add3A_283, %mul3A_284 : i32
      %dma_wait3A_286 = tpu.memref_slice %arg5[%mul3A_285] : memref<25600xi32, #tpu.memory_space<vmem>> -> memref<512xi32, #tpu.memory_space<vmem>>
      %dma_wait3A_287 = arith.constant 0 : i32
      %dma_wait3A_288 = arith.constant 0 : i32
      %dma_wait3A_289 = tpu.memref_slice %arg3[%dma_wait3A_287, %dma_wait3A_288] : memref<1015808x32xf32, #tpu.memory_space<hbm>> -> memref<1015808x32xf32, #tpu.memory_space<hbm>>
      tpu.wait_indirect_dma semaphore(%arg13 : memref<!tpu.dma_semaphore, #tpu.memory_space<semaphore_mem>>) src(%dma_wait3A_289 : memref<1015808x32xf32, #tpu.memory_space<hbm>>) dst(%arg7 : memref<512x32xf32, #tpu.memory_space<vmem>>)
      %mul3A_290 = arith.constant 200 : i32
      %mul3A_291 = arith.muli %add3A, %mul3A_290 : i32
      %mul3A_292 = arith.constant 4 : i32
      %mul3A_293 = arith.muli %add3A_283, %mul3A_292 : i32
      %add3A_294 = arith.addi %mul3A_291, %mul3A_293 : i32
      %add3A_295 = arith.constant 0 : i32
      %add3A_296 = arith.addi %add3A_294, %add3A_295 : i32
      %shift_right_arithmetic3A_297 = arith.constant 5 : i32
      %shift_right_arithmetic3A_298 = arith.shrsi %add3A_296, %shift_right_arithmetic3A_297 : i32
      %and3A_299 = arith.constant 31 : i32
      %and3A_300 = arith.andi %add3A_296, %and3A_299 : i32
      %dma_wait3A_301 = arith.constant 0 : i32
      %dma_wait3A_302 = arith.constant 0 : i32
      %dma_wait3A_303 = arith.constant 0 : i32
      %dma_wait3A_304 = tpu.memref_slice %arg8[%dma_wait3A_301, %dma_wait3A_302, %dma_wait3A_303] : memref<4x8x129xf32, #tpu.memory_space<vmem>> -> memref<4x8x128xf32, #tpu.memory_space<vmem>>
      %dma_wait3A_305 = arith.constant 0 : i32
      %dma_wait3A_306 = arith.constant 0 : i32
      %dma_wait3A_307 = arith.constant 0 : i32
      %dma_wait3A_308 = tpu.memref_slice %arg4[%shift_right_arithmetic3A_298, %dma_wait3A_305, %and3A_300, %dma_wait3A_306, %dma_wait3A_307] : memref<200x4x32x8x128xf32, #tpu.memory_space<hbm>> -> memref<1x4x1x8x128xf32, #tpu.memory_space<hbm>>
      %dma_wait3A_309 = tpu.memref_squeeze %dma_wait3A_308 : memref<1x4x1x8x128xf32, #tpu.memory_space<hbm>> -> memref<4x8x128xf32, #tpu.memory_space<hbm>>
      %dma_wait3A_310 = arith.constant 0 : i32
      %dma_wait3A_311 = arith.constant 0 : i32
      %dma_wait3A_312 = arith.constant 0 : i32
      %dma_wait3A_313 = tpu.memref_slice %arg4[%shift_right_arithmetic3A_298, %dma_wait3A_310, %and3A_300, %dma_wait3A_311, %dma_wait3A_312] : memref<200x4x32x8x128xf32, #tpu.memory_space<hbm>> -> memref<1x4x1x8x128xf32, #tpu.memory_space<hbm>>
      %dma_wait3A_314 = tpu.memref_squeeze %dma_wait3A_313 : memref<1x4x1x8x128xf32, #tpu.memory_space<hbm>> -> memref<4x8x128xf32, #tpu.memory_space<hbm>>
      %dma_wait3A_315 = arith.constant 0 : i32
      %dma_wait3A_316 = arith.constant 0 : i32
      %dma_wait3A_317 = arith.constant 0 : i32
      %dma_wait3A_318 = tpu.memref_slice %arg8[%dma_wait3A_315, %dma_wait3A_316, %dma_wait3A_317] : memref<4x8x129xf32, #tpu.memory_space<vmem>> -> memref<4x8x128xf32, #tpu.memory_space<vmem>>
      tpu.wait_dma2 semaphore(%arg14 : memref<!tpu.dma_semaphore, #tpu.memory_space<semaphore_mem>>) src(%dma_wait3A_318 : memref<4x8x128xf32, #tpu.memory_space<vmem>>) dst(%dma_wait3A_314 : memref<4x8x128xf32, #tpu.memory_space<hbm>>)
      %add3A_319 = arith.constant 1 : i32
      %add3A_320 = arith.addi %add3A_294, %add3A_319 : i32
      %shift_right_arithmetic3A_321 = arith.constant 5 : i32
      %shift_right_arithmetic3A_322 = arith.shrsi %add3A_320, %shift_right_arithmetic3A_321 : i32
      %and3A_323 = arith.constant 31 : i32
      %and3A_324 = arith.andi %add3A_320, %and3A_323 : i32
      %dma_wait3A_325 = arith.constant 0 : i32
      %dma_wait3A_326 = arith.constant 0 : i32
      %dma_wait3A_327 = arith.constant 0 : i32
      %dma_wait3A_328 = tpu.memref_slice %arg9[%dma_wait3A_325, %dma_wait3A_326, %dma_wait3A_327] : memref<4x8x129xf32, #tpu.memory_space<vmem>> -> memref<4x8x128xf32, #tpu.memory_space<vmem>>
      %dma_wait3A_329 = arith.constant 0 : i32
      %dma_wait3A_330 = arith.constant 0 : i32
      %dma_wait3A_331 = arith.constant 0 : i32
      %dma_wait3A_332 = tpu.memref_slice %arg4[%shift_right_arithmetic3A_322, %dma_wait3A_329, %and3A_324, %dma_wait3A_330, %dma_wait3A_331] : memref<200x4x32x8x128xf32, #tpu.memory_space<hbm>> -> memref<1x4x1x8x128xf32, #tpu.memory_space<hbm>>
      %dma_wait3A_333 = tpu.memref_squeeze %dma_wait3A_332 : memref<1x4x1x8x128xf32, #tpu.memory_space<hbm>> -> memref<4x8x128xf32, #tpu.memory_space<hbm>>
      %dma_wait3A_334 = arith.constant 0 : i32
      %dma_wait3A_335 = arith.constant 0 : i32
      %dma_wait3A_336 = arith.constant 0 : i32
      %dma_wait3A_337 = tpu.memref_slice %arg4[%shift_right_arithmetic3A_322, %dma_wait3A_334, %and3A_324, %dma_wait3A_335, %dma_wait3A_336] : memref<200x4x32x8x128xf32, #tpu.memory_space<hbm>> -> memref<1x4x1x8x128xf32, #tpu.memory_space<hbm>>
      %dma_wait3A_338 = tpu.memref_squeeze %dma_wait3A_337 : memref<1x4x1x8x128xf32, #tpu.memory_space<hbm>> -> memref<4x8x128xf32, #tpu.memory_space<hbm>>
      %dma_wait3A_339 = arith.constant 0 : i32
      %dma_wait3A_340 = arith.constant 0 : i32
      %dma_wait3A_341 = arith.constant 0 : i32
      %dma_wait3A_342 = tpu.memref_slice %arg9[%dma_wait3A_339, %dma_wait3A_340, %dma_wait3A_341] : memref<4x8x129xf32, #tpu.memory_space<vmem>> -> memref<4x8x128xf32, #tpu.memory_space<vmem>>
      tpu.wait_dma2 semaphore(%arg15 : memref<!tpu.dma_semaphore, #tpu.memory_space<semaphore_mem>>) src(%dma_wait3A_342 : memref<4x8x128xf32, #tpu.memory_space<vmem>>) dst(%dma_wait3A_338 : memref<4x8x128xf32, #tpu.memory_space<hbm>>)
      %add3A_343 = arith.constant 2 : i32
      %add3A_344 = arith.addi %add3A_294, %add3A_343 : i32
      %shift_right_arithmetic3A_345 = arith.constant 5 : i32
      %shift_right_arithmetic3A_346 = arith.shrsi %add3A_344, %shift_right_arithmetic3A_345 : i32
      %and3A_347 = arith.constant 31 : i32
      %and3A_348 = arith.andi %add3A_344, %and3A_347 : i32
      %dma_wait3A_349 = arith.constant 0 : i32
      %dma_wait3A_350 = arith.constant 0 : i32
      %dma_wait3A_351 = arith.constant 0 : i32
      %dma_wait3A_352 = tpu.memref_slice %arg10[%dma_wait3A_349, %dma_wait3A_350, %dma_wait3A_351] : memref<4x8x129xf32, #tpu.memory_space<vmem>> -> memref<4x8x128xf32, #tpu.memory_space<vmem>>
      %dma_wait3A_353 = arith.constant 0 : i32
      %dma_wait3A_354 = arith.constant 0 : i32
      %dma_wait3A_355 = arith.constant 0 : i32
      %dma_wait3A_356 = tpu.memref_slice %arg4[%shift_right_arithmetic3A_346, %dma_wait3A_353, %and3A_348, %dma_wait3A_354, %dma_wait3A_355] : memref<200x4x32x8x128xf32, #tpu.memory_space<hbm>> -> memref<1x4x1x8x128xf32, #tpu.memory_space<hbm>>
      %dma_wait3A_357 = tpu.memref_squeeze %dma_wait3A_356 : memref<1x4x1x8x128xf32, #tpu.memory_space<hbm>> -> memref<4x8x128xf32, #tpu.memory_space<hbm>>
      %dma_wait3A_358 = arith.constant 0 : i32
      %dma_wait3A_359 = arith.constant 0 : i32
      %dma_wait3A_360 = arith.constant 0 : i32
      %dma_wait3A_361 = tpu.memref_slice %arg4[%shift_right_arithmetic3A_346, %dma_wait3A_358, %and3A_348, %dma_wait3A_359, %dma_wait3A_360] : memref<200x4x32x8x128xf32, #tpu.memory_space<hbm>> -> memref<1x4x1x8x128xf32, #tpu.memory_space<hbm>>
      %dma_wait3A_362 = tpu.memref_squeeze %dma_wait3A_361 : memref<1x4x1x8x128xf32, #tpu.memory_space<hbm>> -> memref<4x8x128xf32, #tpu.memory_space<hbm>>
      %dma_wait3A_363 = arith.constant 0 : i32
      %dma_wait3A_364 = arith.constant 0 : i32
      %dma_wait3A_365 = arith.constant 0 : i32
      %dma_wait3A_366 = tpu.memref_slice %arg10[%dma_wait3A_363, %dma_wait3A_364, %dma_wait3A_365] : memref<4x8x129xf32, #tpu.memory_space<vmem>> -> memref<4x8x128xf32, #tpu.memory_space<vmem>>
      tpu.wait_dma2 semaphore(%arg16 : memref<!tpu.dma_semaphore, #tpu.memory_space<semaphore_mem>>) src(%dma_wait3A_366 : memref<4x8x128xf32, #tpu.memory_space<vmem>>) dst(%dma_wait3A_362 : memref<4x8x128xf32, #tpu.memory_space<hbm>>)
      %add3A_367 = arith.constant 3 : i32
      %add3A_368 = arith.addi %add3A_294, %add3A_367 : i32
      %shift_right_arithmetic3A_369 = arith.constant 5 : i32
      %shift_right_arithmetic3A_370 = arith.shrsi %add3A_368, %shift_right_arithmetic3A_369 : i32
      %and3A_371 = arith.constant 31 : i32
      %and3A_372 = arith.andi %add3A_368, %and3A_371 : i32
      %dma_wait3A_373 = arith.constant 0 : i32
      %dma_wait3A_374 = arith.constant 0 : i32
      %dma_wait3A_375 = arith.constant 0 : i32
      %dma_wait3A_376 = tpu.memref_slice %arg11[%dma_wait3A_373, %dma_wait3A_374, %dma_wait3A_375] : memref<4x8x129xf32, #tpu.memory_space<vmem>> -> memref<4x8x128xf32, #tpu.memory_space<vmem>>
      %dma_wait3A_377 = arith.constant 0 : i32
      %dma_wait3A_378 = arith.constant 0 : i32
      %dma_wait3A_379 = arith.constant 0 : i32
      %dma_wait3A_380 = tpu.memref_slice %arg4[%shift_right_arithmetic3A_370, %dma_wait3A_377, %and3A_372, %dma_wait3A_378, %dma_wait3A_379] : memref<200x4x32x8x128xf32, #tpu.memory_space<hbm>> -> memref<1x4x1x8x128xf32, #tpu.memory_space<hbm>>
      %dma_wait3A_381 = tpu.memref_squeeze %dma_wait3A_380 : memref<1x4x1x8x128xf32, #tpu.memory_space<hbm>> -> memref<4x8x128xf32, #tpu.memory_space<hbm>>
      %dma_wait3A_382 = arith.constant 0 : i32
      %dma_wait3A_383 = arith.constant 0 : i32
      %dma_wait3A_384 = arith.constant 0 : i32
      %dma_wait3A_385 = tpu.memref_slice %arg4[%shift_right_arithmetic3A_370, %dma_wait3A_382, %and3A_372, %dma_wait3A_383, %dma_wait3A_384] : memref<200x4x32x8x128xf32, #tpu.memory_space<hbm>> -> memref<1x4x1x8x128xf32, #tpu.memory_space<hbm>>
      %dma_wait3A_386 = tpu.memref_squeeze %dma_wait3A_385 : memref<1x4x1x8x128xf32, #tpu.memory_space<hbm>> -> memref<4x8x128xf32, #tpu.memory_space<hbm>>
      %dma_wait3A_387 = arith.constant 0 : i32
      %dma_wait3A_388 = arith.constant 0 : i32
      %dma_wait3A_389 = arith.constant 0 : i32
      %dma_wait3A_390 = tpu.memref_slice %arg11[%dma_wait3A_387, %dma_wait3A_388, %dma_wait3A_389] : memref<4x8x129xf32, #tpu.memory_space<vmem>> -> memref<4x8x128xf32, #tpu.memory_space<vmem>>
      tpu.wait_dma2 semaphore(%arg17 : memref<!tpu.dma_semaphore, #tpu.memory_space<semaphore_mem>>) src(%dma_wait3A_390 : memref<4x8x128xf32, #tpu.memory_space<vmem>>) dst(%dma_wait3A_386 : memref<4x8x128xf32, #tpu.memory_space<hbm>>)
      %scan3A_391 = arith.constant 0 : i32
      %scan3A_392 = arith.constant 0 : i32
      %scan3A_393 = arith.constant 128 : i32
      %scan3A_394 = arith.addi %scan3A_392, %scan3A_393 : i32
      %scan3A_395 = arith.constant 1 : i32
      scf.for %scan3A_500 = %scan3A_392 to %scan3A_394 step %scan3A_395  : i32 {
        %broadcast_in_dim3A = arith.constant 0 : i32
        %broadcast_in_dim3A_501 = vector.broadcast %broadcast_in_dim3A : i32 to vector<16xi32>
        %add3A_502 = vector.broadcast %scan3A_500 : i32 to vector<16xi32>
        %add3A_503 = arith.addi %broadcast_in_dim3A_501, %add3A_502 : vector<16xi32>
        %add3A_504 = arith.constant 0 : i32
        %add3A_505 = arith.addi %add3A_504, %scan3A_500 : i32
        %get3A = arith.index_cast %add3A_505 : i32 to index
        %get3A_506 = arith.constant 0 : index
        %get3A_507 = tpu.vector_load %arg7[%get3A, %get3A_506] {strides = array<i32>} : memref<512x32xf32, #tpu.memory_space<vmem>>, vector<16xf32>,
        %get3A_508 = arith.index_cast %add3A_505 : i32 to index
        %get3A_509 = arith.constant 16 : index
        %get3A_510 = tpu.vector_load %arg7[%get3A_508, %get3A_509] {strides = array<i32>} : memref<512x32xf32, #tpu.memory_space<vmem>>, vector<16xf32>,
        tpu.vector_store_idx %arg8[%shift_right_arithmetic3A_9, %and3A_11, %add3A_503], %get3A_507 : memref<4x8x129xf32, #tpu.memory_space<vmem>>[vector<16xi32>, vector<16xi32>, vector<16xi32>], vector<16xf32>,
        tpu.vector_store_idx %arg8[%add3A_14, %and3A_11, %add3A_503], %get3A_510 : memref<4x8x129xf32, #tpu.memory_space<vmem>>[vector<16xi32>, vector<16xi32>, vector<16xi32>], vector<16xf32>,
        %add3A_511 = arith.constant 128 : i32
        %add3A_512 = arith.addi %add3A_511, %scan3A_500 : i32
        %get3A_513 = arith.index_cast %add3A_512 : i32 to index
        %get3A_514 = arith.constant 0 : index
        %get3A_515 = tpu.vector_load %arg7[%get3A_513, %get3A_514] {strides = array<i32>} : memref<512x32xf32, #tpu.memory_space<vmem>>, vector<16xf32>,
        %get3A_516 = arith.index_cast %add3A_512 : i32 to index
        %get3A_517 = arith.constant 16 : index
        %get3A_518 = tpu.vector_load %arg7[%get3A_516, %get3A_517] {strides = array<i32>} : memref<512x32xf32, #tpu.memory_space<vmem>>, vector<16xf32>,
        tpu.vector_store_idx %arg9[%shift_right_arithmetic3A_9, %and3A_11, %add3A_503], %get3A_515 : memref<4x8x129xf32, #tpu.memory_space<vmem>>[vector<16xi32>, vector<16xi32>, vector<16xi32>], vector<16xf32>,
        tpu.vector_store_idx %arg9[%add3A_14, %and3A_11, %add3A_503], %get3A_518 : memref<4x8x129xf32, #tpu.memory_space<vmem>>[vector<16xi32>, vector<16xi32>, vector<16xi32>], vector<16xf32>,
        %add3A_519 = arith.constant 256 : i32
        %add3A_520 = arith.addi %add3A_519, %scan3A_500 : i32
        %get3A_521 = arith.index_cast %add3A_520 : i32 to index
        %get3A_522 = arith.constant 0 : index
        %get3A_523 = tpu.vector_load %arg7[%get3A_521, %get3A_522] {strides = array<i32>} : memref<512x32xf32, #tpu.memory_space<vmem>>, vector<16xf32>,
        %get3A_524 = arith.index_cast %add3A_520 : i32 to index
        %get3A_525 = arith.constant 16 : index
        %get3A_526 = tpu.vector_load %arg7[%get3A_524, %get3A_525] {strides = array<i32>} : memref<512x32xf32, #tpu.memory_space<vmem>>, vector<16xf32>,
        tpu.vector_store_idx %arg10[%shift_right_arithmetic3A_9, %and3A_11, %add3A_503], %get3A_523 : memref<4x8x129xf32, #tpu.memory_space<vmem>>[vector<16xi32>, vector<16xi32>, vector<16xi32>], vector<16xf32>,
        tpu.vector_store_idx %arg10[%add3A_14, %and3A_11, %add3A_503], %get3A_526 : memref<4x8x129xf32, #tpu.memory_space<vmem>>[vector<16xi32>, vector<16xi32>, vector<16xi32>], vector<16xf32>,
        %add3A_527 = arith.constant 384 : i32
        %add3A_528 = arith.addi %add3A_527, %scan3A_500 : i32
        %get3A_529 = arith.index_cast %add3A_528 : i32 to index
        %get3A_530 = arith.constant 0 : index
        %get3A_531 = tpu.vector_load %arg7[%get3A_529, %get3A_530] {strides = array<i32>} : memref<512x32xf32, #tpu.memory_space<vmem>>, vector<16xf32>,
        %get3A_532 = arith.index_cast %add3A_528 : i32 to index
        %get3A_533 = arith.constant 16 : index
        %get3A_534 = tpu.vector_load %arg7[%get3A_532, %get3A_533] {strides = array<i32>} : memref<512x32xf32, #tpu.memory_space<vmem>>, vector<16xf32>,
        tpu.vector_store_idx %arg11[%shift_right_arithmetic3A_9, %and3A_11, %add3A_503], %get3A_531 : memref<4x8x129xf32, #tpu.memory_space<vmem>>[vector<16xi32>, vector<16xi32>, vector<16xi32>], vector<16xf32>,
        tpu.vector_store_idx %arg11[%add3A_14, %and3A_11, %add3A_503], %get3A_534 : memref<4x8x129xf32, #tpu.memory_space<vmem>>[vector<16xi32>, vector<16xi32>, vector<16xi32>], vector<16xf32>,
      }
      %scan3A_396 = arith.constant 128 : i32
      %add3A_397 = arith.constant 0 : i32
      %add3A_398 = arith.addi %add3A_294, %add3A_397 : i32
      %shift_right_arithmetic3A_399 = arith.constant 5 : i32
      %shift_right_arithmetic3A_400 = arith.shrsi %add3A_398, %shift_right_arithmetic3A_399 : i32
      %and3A_401 = arith.constant 31 : i32
      %and3A_402 = arith.andi %add3A_398, %and3A_401 : i32
      %dma_start3A_403 = arith.constant 0 : i32
      %dma_start3A_404 = arith.constant 0 : i32
      %dma_start3A_405 = arith.constant 0 : i32
      %dma_start3A_406 = tpu.memref_slice %arg8[%dma_start3A_403, %dma_start3A_404, %dma_start3A_405] : memref<4x8x129xf32, #tpu.memory_space<vmem>> -> memref<4x8x128xf32, #tpu.memory_space<vmem>>
      %dma_start3A_407 = arith.constant 0 : i32
      %dma_start3A_408 = arith.constant 0 : i32
      %dma_start3A_409 = arith.constant 0 : i32
      %dma_start3A_410 = tpu.memref_slice %arg4[%shift_right_arithmetic3A_400, %dma_start3A_407, %and3A_402, %dma_start3A_408, %dma_start3A_409] : memref<200x4x32x8x128xf32, #tpu.memory_space<hbm>> -> memref<1x4x1x8x128xf32, #tpu.memory_space<hbm>>
      %dma_start3A_411 = tpu.memref_squeeze %dma_start3A_410 : memref<1x4x1x8x128xf32, #tpu.memory_space<hbm>> -> memref<4x8x128xf32, #tpu.memory_space<hbm>>
      %dma_start3A_412 = arith.constant 0 : i32
      %dma_start3A_413 = arith.constant 0 : i32
      %dma_start3A_414 = arith.constant 0 : i32
      %dma_start3A_415 = tpu.memref_slice %arg4[%shift_right_arithmetic3A_400, %dma_start3A_412, %and3A_402, %dma_start3A_413, %dma_start3A_414] : memref<200x4x32x8x128xf32, #tpu.memory_space<hbm>> -> memref<1x4x1x8x128xf32, #tpu.memory_space<hbm>>
      %dma_start3A_416 = tpu.memref_squeeze %dma_start3A_415 : memref<1x4x1x8x128xf32, #tpu.memory_space<hbm>> -> memref<4x8x128xf32, #tpu.memory_space<hbm>>
      %dma_start3A_417 = arith.constant 0 : i32
      %dma_start3A_418 = arith.constant 0 : i32
      %dma_start3A_419 = arith.constant 0 : i32
      %dma_start3A_420 = tpu.memref_slice %arg8[%dma_start3A_417, %dma_start3A_418, %dma_start3A_419] : memref<4x8x129xf32, #tpu.memory_space<vmem>> -> memref<4x8x128xf32, #tpu.memory_space<vmem>>
      tpu.enqueue_dma source(%dma_start3A_420 : memref<4x8x128xf32, #tpu.memory_space<vmem>>) target(%dma_start3A_416 : memref<4x8x128xf32, #tpu.memory_space<hbm>>) target_semaphore(%arg14 : memref<!tpu.dma_semaphore, #tpu.memory_space<semaphore_mem>>)
      %add3A_421 = arith.constant 1 : i32
      %add3A_422 = arith.addi %add3A_294, %add3A_421 : i32
      %shift_right_arithmetic3A_423 = arith.constant 5 : i32
      %shift_right_arithmetic3A_424 = arith.shrsi %add3A_422, %shift_right_arithmetic3A_423 : i32
      %and3A_425 = arith.constant 31 : i32
      %and3A_426 = arith.andi %add3A_422, %and3A_425 : i32
      %dma_start3A_427 = arith.constant 0 : i32
      %dma_start3A_428 = arith.constant 0 : i32
      %dma_start3A_429 = arith.constant 0 : i32
      %dma_start3A_430 = tpu.memref_slice %arg9[%dma_start3A_427, %dma_start3A_428, %dma_start3A_429] : memref<4x8x129xf32, #tpu.memory_space<vmem>> -> memref<4x8x128xf32, #tpu.memory_space<vmem>>
      %dma_start3A_431 = arith.constant 0 : i32
      %dma_start3A_432 = arith.constant 0 : i32
      %dma_start3A_433 = arith.constant 0 : i32
      %dma_start3A_434 = tpu.memref_slice %arg4[%shift_right_arithmetic3A_424, %dma_start3A_431, %and3A_426, %dma_start3A_432, %dma_start3A_433] : memref<200x4x32x8x128xf32, #tpu.memory_space<hbm>> -> memref<1x4x1x8x128xf32, #tpu.memory_space<hbm>>
      %dma_start3A_435 = tpu.memref_squeeze %dma_start3A_434 : memref<1x4x1x8x128xf32, #tpu.memory_space<hbm>> -> memref<4x8x128xf32, #tpu.memory_space<hbm>>
      %dma_start3A_436 = arith.constant 0 : i32
      %dma_start3A_437 = arith.constant 0 : i32
      %dma_start3A_438 = arith.constant 0 : i32
      %dma_start3A_439 = tpu.memref_slice %arg4[%shift_right_arithmetic3A_424, %dma_start3A_436, %and3A_426, %dma_start3A_437, %dma_start3A_438] : memref<200x4x32x8x128xf32, #tpu.memory_space<hbm>> -> memref<1x4x1x8x128xf32, #tpu.memory_space<hbm>>
      %dma_start3A_440 = tpu.memref_squeeze %dma_start3A_439 : memref<1x4x1x8x128xf32, #tpu.memory_space<hbm>> -> memref<4x8x128xf32, #tpu.memory_space<hbm>>
      %dma_start3A_441 = arith.constant 0 : i32
      %dma_start3A_442 = arith.constant 0 : i32
      %dma_start3A_443 = arith.constant 0 : i32
      %dma_start3A_444 = tpu.memref_slice %arg9[%dma_start3A_441, %dma_start3A_442, %dma_start3A_443] : memref<4x8x129xf32, #tpu.memory_space<vmem>> -> memref<4x8x128xf32, #tpu.memory_space<vmem>>
      tpu.enqueue_dma source(%dma_start3A_444 : memref<4x8x128xf32, #tpu.memory_space<vmem>>) target(%dma_start3A_440 : memref<4x8x128xf32, #tpu.memory_space<hbm>>) target_semaphore(%arg15 : memref<!tpu.dma_semaphore, #tpu.memory_space<semaphore_mem>>)
      %add3A_445 = arith.constant 2 : i32
      %add3A_446 = arith.addi %add3A_294, %add3A_445 : i32
      %shift_right_arithmetic3A_447 = arith.constant 5 : i32
      %shift_right_arithmetic3A_448 = arith.shrsi %add3A_446, %shift_right_arithmetic3A_447 : i32
      %and3A_449 = arith.constant 31 : i32
      %and3A_450 = arith.andi %add3A_446, %and3A_449 : i32
      %dma_start3A_451 = arith.constant 0 : i32
      %dma_start3A_452 = arith.constant 0 : i32
      %dma_start3A_453 = arith.constant 0 : i32
      %dma_start3A_454 = tpu.memref_slice %arg10[%dma_start3A_451, %dma_start3A_452, %dma_start3A_453] : memref<4x8x129xf32, #tpu.memory_space<vmem>> -> memref<4x8x128xf32, #tpu.memory_space<vmem>>
      %dma_start3A_455 = arith.constant 0 : i32
      %dma_start3A_456 = arith.constant 0 : i32
      %dma_start3A_457 = arith.constant 0 : i32
      %dma_start3A_458 = tpu.memref_slice %arg4[%shift_right_arithmetic3A_448, %dma_start3A_455, %and3A_450, %dma_start3A_456, %dma_start3A_457] : memref<200x4x32x8x128xf32, #tpu.memory_space<hbm>> -> memref<1x4x1x8x128xf32, #tpu.memory_space<hbm>>
      %dma_start3A_459 = tpu.memref_squeeze %dma_start3A_458 : memref<1x4x1x8x128xf32, #tpu.memory_space<hbm>> -> memref<4x8x128xf32, #tpu.memory_space<hbm>>
      %dma_start3A_460 = arith.constant 0 : i32
      %dma_start3A_461 = arith.constant 0 : i32
      %dma_start3A_462 = arith.constant 0 : i32
      %dma_start3A_463 = tpu.memref_slice %arg4[%shift_right_arithmetic3A_448, %dma_start3A_460, %and3A_450, %dma_start3A_461, %dma_start3A_462] : memref<200x4x32x8x128xf32, #tpu.memory_space<hbm>> -> memref<1x4x1x8x128xf32, #tpu.memory_space<hbm>>
      %dma_start3A_464 = tpu.memref_squeeze %dma_start3A_463 : memref<1x4x1x8x128xf32, #tpu.memory_space<hbm>> -> memref<4x8x128xf32, #tpu.memory_space<hbm>>
      %dma_start3A_465 = arith.constant 0 : i32
      %dma_start3A_466 = arith.constant 0 : i32
      %dma_start3A_467 = arith.constant 0 : i32
      %dma_start3A_468 = tpu.memref_slice %arg10[%dma_start3A_465, %dma_start3A_466, %dma_start3A_467] : memref<4x8x129xf32, #tpu.memory_space<vmem>> -> memref<4x8x128xf32, #tpu.memory_space<vmem>>
      tpu.enqueue_dma source(%dma_start3A_468 : memref<4x8x128xf32, #tpu.memory_space<vmem>>) target(%dma_start3A_464 : memref<4x8x128xf32, #tpu.memory_space<hbm>>) target_semaphore(%arg16 : memref<!tpu.dma_semaphore, #tpu.memory_space<semaphore_mem>>)
      %add3A_469 = arith.constant 3 : i32
      %add3A_470 = arith.addi %add3A_294, %add3A_469 : i32
      %shift_right_arithmetic3A_471 = arith.constant 5 : i32
      %shift_right_arithmetic3A_472 = arith.shrsi %add3A_470, %shift_right_arithmetic3A_471 : i32
      %and3A_473 = arith.constant 31 : i32
      %and3A_474 = arith.andi %add3A_470, %and3A_473 : i32
      %dma_start3A_475 = arith.constant 0 : i32
      %dma_start3A_476 = arith.constant 0 : i32
      %dma_start3A_477 = arith.constant 0 : i32
      %dma_start3A_478 = tpu.memref_slice %arg11[%dma_start3A_475, %dma_start3A_476, %dma_start3A_477] : memref<4x8x129xf32, #tpu.memory_space<vmem>> -> memref<4x8x128xf32, #tpu.memory_space<vmem>>
      %dma_start3A_479 = arith.constant 0 : i32
      %dma_start3A_480 = arith.constant 0 : i32
      %dma_start3A_481 = arith.constant 0 : i32
      %dma_start3A_482 = tpu.memref_slice %arg4[%shift_right_arithmetic3A_472, %dma_start3A_479, %and3A_474, %dma_start3A_480, %dma_start3A_481] : memref<200x4x32x8x128xf32, #tpu.memory_space<hbm>> -> memref<1x4x1x8x128xf32, #tpu.memory_space<hbm>>
      %dma_start3A_483 = tpu.memref_squeeze %dma_start3A_482 : memref<1x4x1x8x128xf32, #tpu.memory_space<hbm>> -> memref<4x8x128xf32, #tpu.memory_space<hbm>>
      %dma_start3A_484 = arith.constant 0 : i32
      %dma_start3A_485 = arith.constant 0 : i32
      %dma_start3A_486 = arith.constant 0 : i32
      %dma_start3A_487 = tpu.memref_slice %arg4[%shift_right_arithmetic3A_472, %dma_start3A_484, %and3A_474, %dma_start3A_485, %dma_start3A_486] : memref<200x4x32x8x128xf32, #tpu.memory_space<hbm>> -> memref<1x4x1x8x128xf32, #tpu.memory_space<hbm>>
      %dma_start3A_488 = tpu.memref_squeeze %dma_start3A_487 : memref<1x4x1x8x128xf32, #tpu.memory_space<hbm>> -> memref<4x8x128xf32, #tpu.memory_space<hbm>>
      %dma_start3A_489 = arith.constant 0 : i32
      %dma_start3A_490 = arith.constant 0 : i32
      %dma_start3A_491 = arith.constant 0 : i32
      %dma_start3A_492 = tpu.memref_slice %arg11[%dma_start3A_489, %dma_start3A_490, %dma_start3A_491] : memref<4x8x129xf32, #tpu.memory_space<vmem>> -> memref<4x8x128xf32, #tpu.memory_space<vmem>>
      tpu.enqueue_dma source(%dma_start3A_492 : memref<4x8x128xf32, #tpu.memory_space<vmem>>) target(%dma_start3A_488 : memref<4x8x128xf32, #tpu.memory_space<hbm>>) target_semaphore(%arg17 : memref<!tpu.dma_semaphore, #tpu.memory_space<semaphore_mem>>)
      %add3A_493 = arith.constant 2 : i32
      %add3A_494 = arith.addi %add3A_283, %add3A_493 : i32
      %lt3A_495 = arith.constant 50 : i32
      %lt3A_496 = arith.cmpi slt, %add3A_494, %lt3A_495 : i32
      %convert_element_type3A_497 = arith.extui %lt3A_496 : i1 to i32
      %cond3A_498 = arith.constant 0 : i32
      %cond3A_499 = arith.cmpi ne, %convert_element_type3A_497, %cond3A_498 : i32
      scf.if %cond3A_499 {
        %add3A_500 = arith.constant 2 : i32
        %add3A_501 = arith.addi %add3A_283, %add3A_500 : i32
        %mul3A_502 = arith.constant 512 : i32
        %mul3A_503 = arith.muli %add3A_501, %mul3A_502 : i32
        %dma_start3A_504 = tpu.memref_slice %arg5[%mul3A_503] : memref<25600xi32, #tpu.memory_space<vmem>> -> memref<512xi32, #tpu.memory_space<vmem>>
        %dma_start3A_505 = arith.constant 0 : i32
        %dma_start3A_506 = arith.constant 0 : i32
        %dma_start3A_507 = tpu.memref_slice %arg3[%dma_start3A_505, %dma_start3A_506] : memref<1015808x32xf32, #tpu.memory_space<hbm>> -> memref<1015808x32xf32, #tpu.memory_space<hbm>>
        tpu.enqueue_indirect_dma source(%dma_start3A_507 : memref<1015808x32xf32, #tpu.memory_space<hbm>>) target(%arg7 : memref<512x32xf32, #tpu.memory_space<vmem>>) offsets(%dma_start3A_504 : memref<512xi32, #tpu.memory_space<vmem>>) semaphore(%arg13 : memref<!tpu.dma_semaphore, #tpu.memory_space<semaphore_mem>>)
      } else {
      }
    }
    %scan3A_29 = arith.constant 25 : i32
    %mul3A_30 = arith.constant 200 : i32
    %mul3A_31 = arith.muli %add3A, %mul3A_30 : i32
    %add3A_32 = arith.constant 196 : i32
    %add3A_33 = arith.addi %mul3A_31, %add3A_32 : i32
    %add3A_34 = arith.constant 0 : i32
    %add3A_35 = arith.addi %add3A_33, %add3A_34 : i32
    %shift_right_arithmetic3A_36 = arith.constant 5 : i32
    %shift_right_arithmetic3A_37 = arith.shrsi %add3A_35, %shift_right_arithmetic3A_36 : i32
    %and3A_38 = arith.constant 31 : i32
    %and3A_39 = arith.andi %add3A_35, %and3A_38 : i32
    %dma_wait3A = arith.constant 0 : i32
    %dma_wait3A_40 = arith.constant 0 : i32
    %dma_wait3A_41 = arith.constant 0 : i32
    %dma_wait3A_42 = tpu.memref_slice %arg8[%dma_wait3A, %dma_wait3A_40, %dma_wait3A_41] : memref<4x8x129xf32, #tpu.memory_space<vmem>> -> memref<4x8x128xf32, #tpu.memory_space<vmem>>
    %dma_wait3A_43 = arith.constant 0 : i32
    %dma_wait3A_44 = arith.constant 0 : i32
    %dma_wait3A_45 = arith.constant 0 : i32
    %dma_wait3A_46 = tpu.memref_slice %arg4[%shift_right_arithmetic3A_37, %dma_wait3A_43, %and3A_39, %dma_wait3A_44, %dma_wait3A_45] : memref<200x4x32x8x128xf32, #tpu.memory_space<hbm>> -> memref<1x4x1x8x128xf32, #tpu.memory_space<hbm>>
    %dma_wait3A_47 = tpu.memref_squeeze %dma_wait3A_46 : memref<1x4x1x8x128xf32, #tpu.memory_space<hbm>> -> memref<4x8x128xf32, #tpu.memory_space<hbm>>
    %dma_wait3A_48 = arith.constant 0 : i32
    %dma_wait3A_49 = arith.constant 0 : i32
    %dma_wait3A_50 = arith.constant 0 : i32
    %dma_wait3A_51 = tpu.memref_slice %arg4[%shift_right_arithmetic3A_37, %dma_wait3A_48, %and3A_39, %dma_wait3A_49, %dma_wait3A_50] : memref<200x4x32x8x128xf32, #tpu.memory_space<hbm>> -> memref<1x4x1x8x128xf32, #tpu.memory_space<hbm>>
    %dma_wait3A_52 = tpu.memref_squeeze %dma_wait3A_51 : memref<1x4x1x8x128xf32, #tpu.memory_space<hbm>> -> memref<4x8x128xf32, #tpu.memory_space<hbm>>
    %dma_wait3A_53 = arith.constant 0 : i32
    %dma_wait3A_54 = arith.constant 0 : i32
    %dma_wait3A_55 = arith.constant 0 : i32
    %dma_wait3A_56 = tpu.memref_slice %arg8[%dma_wait3A_53, %dma_wait3A_54, %dma_wait3A_55] : memref<4x8x129xf32, #tpu.memory_space<vmem>> -> memref<4x8x128xf32, #tpu.memory_space<vmem>>
    tpu.wait_dma2 semaphore(%arg14 : memref<!tpu.dma_semaphore, #tpu.memory_space<semaphore_mem>>) src(%dma_wait3A_56 : memref<4x8x128xf32, #tpu.memory_space<vmem>>) dst(%dma_wait3A_52 : memref<4x8x128xf32, #tpu.memory_space<hbm>>)
    %mul3A_57 = arith.constant 200 : i32
    %mul3A_58 = arith.muli %add3A, %mul3A_57 : i32
    %add3A_59 = arith.constant 196 : i32
    %add3A_60 = arith.addi %mul3A_58, %add3A_59 : i32
    %add3A_61 = arith.constant 1 : i32
    %add3A_62 = arith.addi %add3A_60, %add3A_61 : i32
    %shift_right_arithmetic3A_63 = arith.constant 5 : i32
    %shift_right_arithmetic3A_64 = arith.shrsi %add3A_62, %shift_right_arithmetic3A_63 : i32
    %and3A_65 = arith.constant 31 : i32
    %and3A_66 = arith.andi %add3A_62, %and3A_65 : i32
    %dma_wait3A_67 = arith.constant 0 : i32
    %dma_wait3A_68 = arith.constant 0 : i32
    %dma_wait3A_69 = arith.constant 0 : i32
    %dma_wait3A_70 = tpu.memref_slice %arg9[%dma_wait3A_67, %dma_wait3A_68, %dma_wait3A_69] : memref<4x8x129xf32, #tpu.memory_space<vmem>> -> memref<4x8x128xf32, #tpu.memory_space<vmem>>
    %dma_wait3A_71 = arith.constant 0 : i32
    %dma_wait3A_72 = arith.constant 0 : i32
    %dma_wait3A_73 = arith.constant 0 : i32
    %dma_wait3A_74 = tpu.memref_slice %arg4[%shift_right_arithmetic3A_64, %dma_wait3A_71, %and3A_66, %dma_wait3A_72, %dma_wait3A_73] : memref<200x4x32x8x128xf32, #tpu.memory_space<hbm>> -> memref<1x4x1x8x128xf32, #tpu.memory_space<hbm>>
    %dma_wait3A_75 = tpu.memref_squeeze %dma_wait3A_74 : memref<1x4x1x8x128xf32, #tpu.memory_space<hbm>> -> memref<4x8x128xf32, #tpu.memory_space<hbm>>
    %dma_wait3A_76 = arith.constant 0 : i32
    %dma_wait3A_77 = arith.constant 0 : i32
    %dma_wait3A_78 = arith.constant 0 : i32
    %dma_wait3A_79 = tpu.memref_slice %arg4[%shift_right_arithmetic3A_64, %dma_wait3A_76, %and3A_66, %dma_wait3A_77, %dma_wait3A_78] : memref<200x4x32x8x128xf32, #tpu.memory_space<hbm>> -> memref<1x4x1x8x128xf32, #tpu.memory_space<hbm>>
    %dma_wait3A_80 = tpu.memref_squeeze %dma_wait3A_79 : memref<1x4x1x8x128xf32, #tpu.memory_space<hbm>> -> memref<4x8x128xf32, #tpu.memory_space<hbm>>
    %dma_wait3A_81 = arith.constant 0 : i32
    %dma_wait3A_82 = arith.constant 0 : i32
    %dma_wait3A_83 = arith.constant 0 : i32
    %dma_wait3A_84 = tpu.memref_slice %arg9[%dma_wait3A_81, %dma_wait3A_82, %dma_wait3A_83] : memref<4x8x129xf32, #tpu.memory_space<vmem>> -> memref<4x8x128xf32, #tpu.memory_space<vmem>>
    tpu.wait_dma2 semaphore(%arg15 : memref<!tpu.dma_semaphore, #tpu.memory_space<semaphore_mem>>) src(%dma_wait3A_84 : memref<4x8x128xf32, #tpu.memory_space<vmem>>) dst(%dma_wait3A_80 : memref<4x8x128xf32, #tpu.memory_space<hbm>>)
    %mul3A_85 = arith.constant 200 : i32
    %mul3A_86 = arith.muli %add3A, %mul3A_85 : i32
    %add3A_87 = arith.constant 196 : i32
    %add3A_88 = arith.addi %mul3A_86, %add3A_87 : i32
    %add3A_89 = arith.constant 2 : i32
    %add3A_90 = arith.addi %add3A_88, %add3A_89 : i32
    %shift_right_arithmetic3A_91 = arith.constant 5 : i32
    %shift_right_arithmetic3A_92 = arith.shrsi %add3A_90, %shift_right_arithmetic3A_91 : i32
    %and3A_93 = arith.constant 31 : i32
    %and3A_94 = arith.andi %add3A_90, %and3A_93 : i32
    %dma_wait3A_95 = arith.constant 0 : i32
    %dma_wait3A_96 = arith.constant 0 : i32
    %dma_wait3A_97 = arith.constant 0 : i32
    %dma_wait3A_98 = tpu.memref_slice %arg10[%dma_wait3A_95, %dma_wait3A_96, %dma_wait3A_97] : memref<4x8x129xf32, #tpu.memory_space<vmem>> -> memref<4x8x128xf32, #tpu.memory_space<vmem>>
    %dma_wait3A_99 = arith.constant 0 : i32
    %dma_wait3A_100 = arith.constant 0 : i32
    %dma_wait3A_101 = arith.constant 0 : i32
    %dma_wait3A_102 = tpu.memref_slice %arg4[%shift_right_arithmetic3A_92, %dma_wait3A_99, %and3A_94, %dma_wait3A_100, %dma_wait3A_101] : memref<200x4x32x8x128xf32, #tpu.memory_space<hbm>> -> memref<1x4x1x8x128xf32, #tpu.memory_space<hbm>>
    %dma_wait3A_103 = tpu.memref_squeeze %dma_wait3A_102 : memref<1x4x1x8x128xf32, #tpu.memory_space<hbm>> -> memref<4x8x128xf32, #tpu.memory_space<hbm>>
    %dma_wait3A_104 = arith.constant 0 : i32
    %dma_wait3A_105 = arith.constant 0 : i32
    %dma_wait3A_106 = arith.constant 0 : i32
    %dma_wait3A_107 = tpu.memref_slice %arg4[%shift_right_arithmetic3A_92, %dma_wait3A_104, %and3A_94, %dma_wait3A_105, %dma_wait3A_106] : memref<200x4x32x8x128xf32, #tpu.memory_space<hbm>> -> memref<1x4x1x8x128xf32, #tpu.memory_space<hbm>>
    %dma_wait3A_108 = tpu.memref_squeeze %dma_wait3A_107 : memref<1x4x1x8x128xf32, #tpu.memory_space<hbm>> -> memref<4x8x128xf32, #tpu.memory_space<hbm>>
    %dma_wait3A_109 = arith.constant 0 : i32
    %dma_wait3A_110 = arith.constant 0 : i32
    %dma_wait3A_111 = arith.constant 0 : i32
    %dma_wait3A_112 = tpu.memref_slice %arg10[%dma_wait3A_109, %dma_wait3A_110, %dma_wait3A_111] : memref<4x8x129xf32, #tpu.memory_space<vmem>> -> memref<4x8x128xf32, #tpu.memory_space<vmem>>
    tpu.wait_dma2 semaphore(%arg16 : memref<!tpu.dma_semaphore, #tpu.memory_space<semaphore_mem>>) src(%dma_wait3A_112 : memref<4x8x128xf32, #tpu.memory_space<vmem>>) dst(%dma_wait3A_108 : memref<4x8x128xf32, #tpu.memory_space<hbm>>)
    %mul3A_113 = arith.constant 200 : i32
    %mul3A_114 = arith.muli %add3A, %mul3A_113 : i32
    %add3A_115 = arith.constant 196 : i32
    %add3A_116 = arith.addi %mul3A_114, %add3A_115 : i32
    %add3A_117 = arith.constant 3 : i32
    %add3A_118 = arith.addi %add3A_116, %add3A_117 : i32
    %shift_right_arithmetic3A_119 = arith.constant 5 : i32
    %shift_right_arithmetic3A_120 = arith.shrsi %add3A_118, %shift_right_arithmetic3A_119 : i32
    %and3A_121 = arith.constant 31 : i32
    %and3A_122 = arith.andi %add3A_118, %and3A_121 : i32
    %dma_wait3A_123 = arith.constant 0 : i32
    %dma_wait3A_124 = arith.constant 0 : i32
    %dma_wait3A_125 = arith.constant 0 : i32
    %dma_wait3A_126 = tpu.memref_slice %arg11[%dma_wait3A_123, %dma_wait3A_124, %dma_wait3A_125] : memref<4x8x129xf32, #tpu.memory_space<vmem>> -> memref<4x8x128xf32, #tpu.memory_space<vmem>>
    %dma_wait3A_127 = arith.constant 0 : i32
    %dma_wait3A_128 = arith.constant 0 : i32
    %dma_wait3A_129 = arith.constant 0 : i32
    %dma_wait3A_130 = tpu.memref_slice %arg4[%shift_right_arithmetic3A_120, %dma_wait3A_127, %and3A_122, %dma_wait3A_128, %dma_wait3A_129] : memref<200x4x32x8x128xf32, #tpu.memory_space<hbm>> -> memref<1x4x1x8x128xf32, #tpu.memory_space<hbm>>
    %dma_wait3A_131 = tpu.memref_squeeze %dma_wait3A_130 : memref<1x4x1x8x128xf32, #tpu.memory_space<hbm>> -> memref<4x8x128xf32, #tpu.memory_space<hbm>>
    %dma_wait3A_132 = arith.constant 0 : i32
    %dma_wait3A_133 = arith.constant 0 : i32
    %dma_wait3A_134 = arith.constant 0 : i32
    %dma_wait3A_135 = tpu.memref_slice %arg4[%shift_right_arithmetic3A_120, %dma_wait3A_132, %and3A_122, %dma_wait3A_133, %dma_wait3A_134] : memref<200x4x32x8x128xf32, #tpu.memory_space<hbm>> -> memref<1x4x1x8x128xf32, #tpu.memory_space<hbm>>
    %dma_wait3A_136 = tpu.memref_squeeze %dma_wait3A_135 : memref<1x4x1x8x128xf32, #tpu.memory_space<hbm>> -> memref<4x8x128xf32, #tpu.memory_space<hbm>>
    %dma_wait3A_137 = arith.constant 0 : i32
    %dma_wait3A_138 = arith.constant 0 : i32
    %dma_wait3A_139 = arith.constant 0 : i32
    %dma_wait3A_140 = tpu.memref_slice %arg11[%dma_wait3A_137, %dma_wait3A_138, %dma_wait3A_139] : memref<4x8x129xf32, #tpu.memory_space<vmem>> -> memref<4x8x128xf32, #tpu.memory_space<vmem>>
    tpu.wait_dma2 semaphore(%arg17 : memref<!tpu.dma_semaphore, #tpu.memory_space<semaphore_mem>>) src(%dma_wait3A_140 : memref<4x8x128xf32, #tpu.memory_space<vmem>>) dst(%dma_wait3A_136 : memref<4x8x128xf32, #tpu.memory_space<hbm>>)
    return
  }
}

module attributes {stable_mosaic.version = 14 : i64} {
  func.func @_detile_body(%arg0: i32, %arg1: memref<32x32768xf32, #tpu.memory_space<vmem>>, %arg2: memref<8192x128xf32, #tpu.memory_space<vmem>>) attributes {dimension_semantics = [#tpu.dimension_semantics<arbitrary>], iteration_bounds = array<i64: 31>, scalar_prefetch = 0 : i64, scratch_operands = 0 : i64, tpu.core_type = #tpu.core_type<tc>, window_params = [{transform_indices = @transform_0, window_bounds = array<i64: 32, 32768>}, {transform_indices = @transform_1, window_bounds = array<i64: 8192, 128>}]} {
    %get3A = arith.constant 0 : index
    %get3A_0 = arith.constant 0 : index
    %get3A_1 = vector.load %arg1[%get3A, %get3A_0] : memref<32x32768xf32, #tpu.memory_space<vmem>>, vector<32x32768xf32>
    %transpose3A = tpu.transpose %get3A_1, [1, 0] : vector<32x32768xf32> -> vector<32768x32xf32>
    %slice3A = vector.extract_strided_slice %transpose3A {offsets = [0, 0], sizes = [8192, 32], strides = [1, 1]} : vector<32768x32xf32> to vector<8192x32xf32>
    %slice3A_2 = vector.extract_strided_slice %transpose3A {offsets = [8192, 0], sizes = [8192, 32], strides = [1, 1]} : vector<32768x32xf32> to vector<8192x32xf32>
    %slice3A_3 = vector.extract_strided_slice %transpose3A {offsets = [16384, 0], sizes = [8192, 32], strides = [1, 1]} : vector<32768x32xf32> to vector<8192x32xf32>
    %slice3A_4 = vector.extract_strided_slice %transpose3A {offsets = [24576, 0], sizes = [8192, 32], strides = [1, 1]} : vector<32768x32xf32> to vector<8192x32xf32>
    %concatenate3A = tpu.concatenate %slice3A, %slice3A_2, %slice3A_3, %slice3A_4 in 1 : vector<8192x32xf32>, vector<8192x32xf32>, vector<8192x32xf32>, vector<8192x32xf32> -> vector<8192x128xf32>
    %mul3A = arith.constant 5.65685415 : f32
    %mul3A_5 = vector.broadcast %mul3A : f32 to vector<8192x128xf32>
    %mul3A_6 = arith.mulf %concatenate3A, %mul3A_5 : vector<8192x128xf32>
    %swap3A = arith.constant 0 : index
    %swap3A_7 = arith.constant 0 : index
    %swap3A_8 = vector.load %arg2[%swap3A, %swap3A_7] : memref<8192x128xf32, #tpu.memory_space<vmem>>, vector<8192x128xf32>
    tpu.vector_store %arg2[%swap3A, %swap3A_7], %mul3A_6 {strides = array<i32>} : memref<8192x128xf32, #tpu.memory_space<vmem>>, vector<8192x128xf32>,
    return
  }
  func.func @transform_0(%arg0: i32) -> (i32, i32) {
    %c0_i32 = arith.constant 0 : i32
    %c0_i32_0 = arith.constant 0 : i32
    return %c0_i32, %arg0 : i32, i32
  }
  func.func @transform_1(%arg0: i32) -> (i32, i32) {
    %c0_i32 = arith.constant 0 : i32
    %c0_i32_0 = arith.constant 0 : i32
    return %arg0, %c0_i32 : i32, i32
  }
}

</mosaic_0001>

<sc_bundles>
// kernel: kernel.4.cloned.1.call-start
scs
__scs_entry_jumppad:
0x0: {  	(pc) =	sbr.rel $0x88, $3  }
0x1: {  	(tag) =	ssettag $0x0;
	lr =	simm.s32 $0x1  }
0x2: {  	[smem:$0x3F9F] =	sst lr;
	_ =	strace $0xD0000000  }
0x3: {  	_ = 	snop  }
0x4: {  	_ = 	snop  }
0x5: {  	_ = 	snop  }
0x6: {  	_ = 	snop  }
0x7: {  	_ = 	snop  }
__scs_overlays_trampoline_lowered:
0x8: {  	[smem:$0x3FAE] =	sst s0  }
0x9: {  	[smem:$0x3FAF] =	sst s1  }
0xa: {  	[smem:$0x3FB0] =	sst s2  }
0xb: {  	[smem:$0x3FB1] =	sst s3  }
0xc: {  	[smem:$0x3FB2] =	sst s4  }
0xd: {  	[smem:$0x3FB3] =	sst s5  }
0xe: {  	[smem:$0x3FB4] =	sst s6  }
0xf: {  	[smem:$0x3FB5] =	sst s7  }
0x10: {  	[smem:$0x3FB6] =	sst s8  }
0x11: {  	[smem:$0x3FB7] =	sst s9;
	s0 =	simm.s32 @!p0 $0x0  }
0x12: {  	s1 =	sld [smem:$0x3F9D];
	s0 =	simm.s32 @p0 $0x1  }
0x13: {  	[smem:$0x3FB8] =	sst s0;
	s0 =	simm.s32 @!p1 $0x0  }
0x14: {  	s2 =	sld [smem:$0x3F9C];
	s0 =	simm.s32 @p1 $0x1  }
0x15: {  	[smem:$0x3FB9] =	sst s0;
	s0 =	simm.s32 @!p2 $0x0  }
0x16: {  	s3 =	sld [smem:$0x3FDB];
	s0 =	simm.s32 @p2 $0x1  }
0x17: {  	s4 =	simm.s32 $0x1BF5;
	[smem:$0x3FBB] =	sst s0  }
0x18: {  	s0 =	sld [smem:$0x3F9E];
	_ =	swait.ge [sflag:s4], $0x0  }
0x19: {  	s7 =	sld [smem:$0x3F9F]  }
0x1a: {  	s8 =	sadd.s32 $0xFFFFE003, lr  }
0x1b: {  	s9 =	sadd.s32 $0xFFFFFEF7, lr;
	s5 =	simm.s32 $0xFFFFFFFF;
	p2 =	slt.u32 s8, $0xFFFFF086  }
0x1c: {  	p1 =	slt.u32 s9, $0xF7A;
	s5 =	simm.s32 @!p2 $0x0  }
0x1d: {  	s5 =	simm.s32 @p1 $0x1;
	p0 =	seq.s32 s7, s2  }
0x1e: {  	s7 =	smul.u32 @!p0 $0xF7A, s2;
	p2 =	seq.s32 @!p0 s5, $0x0  }
0x1f: {  	s9 =	smul.u32 $0xF7A, s1;
	s8 =	simm.s32 @!p0 $0x1BF5;
	p2 =	por !p2, p0  }
0x20: {  	[sflag:s8] =	ssyncset.s32 @!p0 $0xFFFFF086;
	s6 =	sadd.s32 @!p0 s3, s7;
	s7 =	simm.s32 @!p0 $0x108  }
0x21: {  	s3 =	sadd.s32 s3, s9;
	s6 =	sadd.s32 @!p0 $0x88, s6;
	s7 =	simm.s32 @p2 $0x1082  }
0x22: {  	[simem:s7], [sflag:s8] =	dma.local @!p0 [hbm:s6], $0xF7A  }
0x23: {  	s9 =	sor.u32 $0xD0000000, s2;
	s6 =	simm.s32 $0x108;
	_ =	swait.ge @!p0 [sflag:s8], $0x0  }
0x24: {  	s3 =	sadd.s32 $0x88, s3;
	s6 =	simm.s32 @!p1 $0x1082;
	[sflag:s4] =	ssyncset.s32 $0xFFFFF086  }
0x25: {  	[simem:s6], [sflag:s4] =	dma.local [hbm:s3], $0xF7A  }
0x26: {  	[smem:$0x3F9F] =	sst s1;
	(tag) =	ssettag s2;
	_ =	strace s9  }
0x27: {  	s1 =	sld [smem:$0x3FAF]  }
0x28: {  	s2 =	sld [smem:$0x3FB0]  }
0x29: {  	s4 =	sld [smem:$0x3FB2]  }
0x2a: {  	p0 =	seq.s32 s5, $0x0;
	s5 =	sld [smem:$0x3FB3]  }
0x2b: {  	s6 =	sld [smem:$0x3FB4]  }
0x2c: {  	s7 =	sld [smem:$0x3FB5]  }
0x2d: {  	s3 =	simm.s32 $0x108;
	s8 =	sld [smem:$0x3FB6]  }
0x2e: {  	s3 =	simm.s32 @!p0 $0x1082;
	s9 =	sld [smem:$0x3FB7]  }
0x2f: {  	lr =	sadd.s32 s0, s3;
	s0 =	sld [smem:$0x3FAE]  }
0x30: {  	s3 =	sld [smem:$0x3FB1]  }
0x31: {  	[smem:$0x3FBA] =	sst s10  }
0x32: {  	s10 =	sld [smem:$0x3FB8];
	_ =	sdelay $0x3  }
0x33: {  	p0 =	seq.s32 s10, $0x1;
	s10 =	sld [smem:$0x3FBA];
	_ =	sdelay $0x3  }
0x34: {  	[smem:$0x3FBA] =	sst s10  }
0x35: {  	s10 =	sld [smem:$0x3FB9];
	_ =	sdelay $0x3  }
0x36: {  	p1 =	seq.s32 s10, $0x1;
	s10 =	sld [smem:$0x3FBA];
	_ =	sdelay $0x3  }
0x37: {  	[smem:$0x3FBA] =	sst s10  }
0x38: {  	s10 =	sld [smem:$0x3FBB]  }
0x39: {  	_ = 	snop;
	(pc) =	sbr.ind lr, $3  }
0x3a: {  	_ = 	snop  }
0x3b: {  	_ = 	snop  }
0x3c: {  	p2 =	seq.s32 s10, $0x1;
	s10 =	sld [smem:$0x3FBA]  }
0x3d: {  	_ =	shalt  }
0x3e: {  	_ =	shalt  }
0x3f: {  	_ =	shalt  }
0x40: {  	_ =	shalt  }
0x41: {  	_ =	shalt  }
0x42: {  	_ =	shalt  }
0x43: {  	_ =	shalt  }
0x44: {  	_ =	shalt  }
0x45: {  	_ =	shalt  }
0x46: {  	_ =	shalt  }
0x47: {  	_ =	shalt  }
0x48: {  	_ =	shalt  }
0x49: {  	_ =	shalt  }
0x4a: {  	_ =	shalt  }
0x4b: {  	_ =	shalt  }
0x4c: {  	_ =	shalt  }
0x4d: {  	_ =	shalt  }
0x4e: {  	_ =	shalt  }
0x4f: {  	_ =	shalt  }
0x50: {  	_ =	shalt  }
0x51: {  	_ =	shalt  }
0x52: {  	_ =	shalt  }
0x53: {  	_ =	shalt  }
0x54: {  	_ =	shalt  }
0x55: {  	_ =	shalt  }
0x56: {  	_ =	shalt  }
0x57: {  	_ =	shalt  }
0x58: {  	_ =	shalt  }
0x59: {  	_ =	shalt  }
0x5a: {  	_ =	shalt  }
0x5b: {  	_ =	shalt  }
0x5c: {  	_ =	shalt  }
0x5d: {  	_ =	shalt  }
0x5e: {  	_ =	shalt  }
0x5f: {  	_ =	shalt  }
0x60: {  	_ =	shalt  }
0x61: {  	_ =	shalt  }
0x62: {  	_ =	shalt  }
0x63: {  	_ =	shalt  }
0x64: {  	_ =	shalt  }
0x65: {  	_ =	shalt  }
0x66: {  	_ =	shalt  }
0x67: {  	_ =	shalt  }
0x68: {  	_ =	shalt  }
0x69: {  	_ =	shalt  }
0x6a: {  	_ =	shalt  }
0x6b: {  	_ =	shalt  }
0x6c: {  	_ =	shalt  }
0x6d: {  	_ =	shalt  }
0x6e: {  	_ =	shalt  }
0x6f: {  	_ =	shalt  }
0x70: {  	_ =	shalt  }
0x71: {  	_ =	shalt  }
0x72: {  	_ =	shalt  }
0x73: {  	_ =	shalt  }
0x74: {  	_ =	shalt  }
0x75: {  	_ =	shalt  }
0x76: {  	_ =	shalt  }
0x77: {  	_ =	shalt  }
0x78: {  	_ =	shalt  }
0x79: {  	_ =	shalt  }
0x7a: {  	_ =	shalt  }
0x7b: {  	_ =	shalt  }
0x7c: {  	_ =	shalt  }
0x7d: {  	_ =	shalt  }
0x7e: {  	_ =	shalt  }
0x7f: {  	_ =	shalt  }
0x80: {  	_ =	shalt  }
0x81: {  	_ =	shalt  }
0x82: {  	_ =	shalt  }
0x83: {  	_ =	shalt  }
0x84: {  	_ =	shalt  }
0x85: {  	_ =	shalt  }
0x86: {  	_ =	shalt  }
0x87: {  	_ =	shalt  }
.Lfunc_end0:
.L_simem_size_0:
called_computation_lowered:
.L_overlay_start_0:
0x88: {  	s2 =	sld [smem:$0x3FD9]  }
0x89: {  	s3 =	sld [smem:$0x3FFE];
	_ =	sdelay $0x1  }
0x8a: {  	s1 =	srdreg.scid  }
0x8b: {  	s0 =	sand.u32 $0x1, s1  }
0x8c: {  	s17 =	sshll.u32 s0, $0xA;
	s2 =	sadd.s32 s3, s2  }
0x8d: {  	s2 =	sadd.s32 s2, s17  }
0x8e: {  	[smem:$0x3FC6] =	sst s2  }
0x8f: {  	_ = 	snop  }
0x90: {  	s2 =	sld [smem:$0x3FD0];
	(tm) =	ssettm $0x1  }
0x91: {  	s18 =	sld [smem:$0x3FFB];
	_ =	sdelay $0x3  }
0x92: {  	_ =	strace s18  }
0x93: {  	s3 =	sld [smem:$0x3FFC];
	_ =	sdelay $0x3  }
0x94: {  	_ =	strace s3  }
0x95: {  	s3 =	sld [smem:$0x3FFD];
	_ =	sdelay $0x3  }
0x96: {  	_ =	strace s3  }
0x97: {  	_ =	strace $0x8FFFFFFF  }
0x98: {  	s19 =	sld [smem:$0x3FDB];
	_ =	sdelay $0x1  }
0x99: {  	s4 =	simm.s32 $_scs_section_size  }
0x9a: {  	s5 =	simm.s32 $_size__tile_overlayer_lowered;
	s6 =	simm.s32 $_tile_overlayer_lowered  }
0x9b: {  	s22 =	simm.s32 $0x1BFF;
	s21 =	sshll.u32 s6, $0x1;
	s3 =	sadd.s32 s4, s19  }
0x9c: {  	s7 =	simm.s32 $0x0;
	s20 =	sshll.u32 s5, $0x1;
	s5 =	sadd.s32 s21, s3  }
0x9d: {  	[timem:s7], [sflag:s22] =	dma.local [hbm:s5], s20  }
0x9e: {  	_ =	swait.ge [sflag:s22], s20  }
0x9f: {  	s4 =	ssub.s32 $0x0, s20;
	[sflag:s22] =	ssyncset.done $0x0  }
0xa0: {  	[sflag:s22] =	ssyncadd.s32 s4;
	_ =	sdelay $0x1  }
0xa1: {  	s23 =	simm.s32 $0x1B8B  }
0xa2: {  	_ =	swait.ge [sflag:s23], $0x1  }
0xa3: {  	[sflag:s23] =	ssyncset.done $0x0  }
0xa4: {  	s25 =	simm.s32 $0x1B8E;
	s24 =	sld [smem:$0x3FFE];
	[sflag:s23] =	ssyncadd.s32 $0xFFFFFFFF  }
0xa5: {  	s26 =	simm.s32 $execute0_lowered;
	[smem:$0x3FD2] =	sst s25  }
0xa6: {  	s5 =	sshll.u32 s26, $0x1;
	_ =	strace $0x80000046;
	[dreg:$0x1] =	wrdreg $0xFFFFFFFF  }
0xa7: {  	s28 =	simm.s32 $_size_execute0_lowered;
	s3 =	sadd.s32 s3, s5;
	[dreg:$0x0] =	wrdreg $0x0  }
0xa8: {  	s5 =	sshll.u32 s28, $0x1;
	[dreg:$0x2] =	wrdreg s3  }
0xa9: {  	[dreg:$0x3] =	wrdreg s5  }
0xaa: {  	[dreg:$0x4] =	wrdreg $0xC0  }
0xab: {  	_ =	task [dreg:s7], $0x5FFFF  }
0xac: {  	[dreg:$0x1] =	wrdreg $0xFFFFFFFF  }
0xad: {  	[dreg:$0x0] =	wrdreg $0x60  }
0xae: {  	[dreg:$0x2] =	wrdreg s24  }
0xaf: {  	[dreg:$0x3] =	wrdreg s2  }
0xb0: {  	[dreg:$0x4] =	wrdreg $0x9  }
0xb1: {  	_ =	task.clear_ibuf [dreg:s7], $0x5FFFF;
	_ =	strace $0x90000046  }
0xb2: {  	s29 =	simm.s32 $0x9;
	_ =	strace $0x80000048  }
0xb3: {  	_ =	swait.ge [sflag:s29], $0x1  }
0xb4: {  	[sflag:s29] =	ssyncadd.s32 $0xFFFFFFFF  }
0xb5: {  	_ =	strace $0x90000048  }
0xb6: {  	_ =	sfence  }
0xb7: {  	s30 =	sld [smem:$0x0];
	_ =	sdelay $0x2  }
0xb8: {  	s31 =	sshll.u32 s1, $0xD;
	s1 =	sshrl.u32 s1, $0x2  }
0xb9: {  	s3 =	sand.u32 $0x4000, s31;
	s1 =	sadd.s32 s1, s30  }
0xba: {  	s0 =	sor.u32 s3, s0;
	s1 =	sshll.u32 s1, $0x11  }
0xbb: {  	s0 =	sor.u32 s1, s0  }
0xbc: {  	s0 =	sadd.s32 $0x8F2B, s0  }
0xbd: {  	[sflag:s0] =	ssyncadd.remote.s32 $0x1  }
0xbe: {  	_ =	sfence.sel $0xFFFF  }
0xbf: {  	[dreg:$0x0] =	wrdreg $0xFFFFFFFF;
	(pc) =	sbr.abs _section_cstart, $3  }
0xc0: {  	[dreg:$0x1] =	wrdreg $0xFFFFFFFF  }
0xc1: {  	_ =	task.clear_ibuf [dreg:s7], $0x2FFFF;
	_ =	strace $0x9FFFFFFF  }
0xc2: {  	(tm) =	ssettm $0x7FFFFFFF  }
0xc3: {  	_ =	shalt  }
tec
execute0_lowered:
.L_overlay_start_1:
0x0: {  	(tag) =	ssettag $0x1  }
0x1: {  	s0 =	srdreg.scid  }
0x2: {  	s2 =	stileid.u32;
	s1 =	rddreg [dreg:$0x0];
	s13 =	simm.s32 $0xE400  }
0x3: {  	s14 =	simm.s32 $0xF500;
	s15 =	simm.s32 $0x10600;
	s16 =	simm.s32 $0x11700  }
0x4: {  	s21 =	simm.s32 $0xE488;
	s22 =	simm.s32 $0xE510;
	s23 =	simm.s32 $0xE620  }
0x5: {  	s24 =	simm.s32 $0xE730;
	s25 =	simm.s32 $0xE840;
	s28 =	simm.s32 $0xEA60  }
0x6: {  	s29 =	simm.s32 $0xEB70;
	s30 =	simm.s32 $0xEC80;
	s31 =	simm.s32 $0xED90  }
0x7: {  	s12 =	simm.s32 $0xEEA0;
	s10 =	simm.s32 $0xF1D0;
	s11 =	simm.s32 $0x0  }
0x8: {  	s0 =	sand.u32 $0x1, s0;
	s3 =	sshll.u32 s2, $0x1;
	s2 =	rddreg [dreg:$0x1]  }
0x9: {  	s5 =	sor.u32 s0, s3;
	s3 =	simm.s32 $0x0;
	s0 =	ssub.s32 $0x2, s0  }
0xa: {  	s4 =	smul.u32 $0xC80, s5;
	[smem:$0x7FF] =	sst s3;
	s7 =	sshrl.u32 s0, $0x1  }
.Ltmp0:
0xb: {  	_ =	strace $0x80000047;
	s0 =	ssub.s32 s0, s7;
	(pc) =	sbr.rel .LBB2_1-.Ltmp0, $4  }
0xc: {  	v0 =	vlaneseq.u32;
	s7 =	simm.s32 $0xF3F0;
	s6 =	sadd.s32 s4, s1;
	s4 =	sadd.s32 $0x19400, s1  }
0xd: {  	v0 =	vmul.u32 $0x88, v0;
	s0 =	smax.u32 s0, $0x1;
	s1 =	simm.s32 $0xEFB0;
	s26 =	sadd.s32 $0x400, s6  }
0xe: {  	s6 =	smul.u32 $0xC8, s5;
	[dreg:$0x4] =	wrdreg s0;
	s0 =	simm.s32 $0xF0C0  }
0xf: {  	v1 =	vadd.s32 $0x880, v0;
	s5 =	simm.s32 $0xF2E0;
	[dreg:$0x3] =	wrdreg s26;
	s26 =	simm.s32 $0xE950  }
.LBB2_10:
0x10: {  	s8 =	simm.s32 $0x3  }
0x11: {  	_ =	swait.ge [sflag:s8], $0x1000  }
0x12: {  	[sflag:s8] =	ssyncset.done $0x0  }
0x13: {  	s18 =	simm.s32 $0x4;
	[sflag:s8] =	ssyncadd.s32 $0xFFFFF000  }
0x14: {  	_ =	swait.ge [sflag:s18], $0x1000  }
0x15: {  	[sflag:s18] =	ssyncset.done $0x0  }
0x16: {  	s19 =	simm.s32 $0x5;
	[sflag:s18] =	ssyncadd.s32 $0xFFFFF000  }
0x17: {  	_ =	swait.ge [sflag:s19], $0x1000  }
0x18: {  	[sflag:s19] =	ssyncset.done $0x0  }
0x19: {  	s9 =	simm.s32 $0x6;
	[sflag:s19] =	ssyncadd.s32 $0xFFFFF000  }
0x1a: {  	_ =	swait.ge [sflag:s9], $0x1000  }
0x1b: {  	s11 =	rddreg [dreg:$0x5]  }
0x1c: {  	s20 =	rddreg [dreg:$0x4];
	s11 =	sadd.s32 $0x1, s11  }
0x1d: {  	p0 =	sne.s32 s11, s20  }
.Ltmp1:
0x1e: {  	_ = 	snop;
	(pc) =	sbr.rel @!p0 .LBB2_11-.Ltmp1, $3  }
0x1f: {  	_ =	sdelay $0x1  }
0x20: {  	[sflag:s9] =	ssyncset.done $0x0  }
0x21: {  	[sflag:s9] =	ssyncadd.s32 $0xFFFFF000  }
.LBB2_1:
0x22: {  	[dreg:$0x5] =	wrdreg s11  }
0x23: {  	s8 =	rddreg [dreg:$0x3];
	s20 =	simm.s32 $0x7  }
0x24: {  	[tilespmem:s3], [sflag:$0x7] =	stream.linear.gather [hbm4b:s8+s3], $0x6400, $0x38;
	[tilespmem:$0x12800] =	vst v63  }
0x25: {  	_ =	swait.ge [sflag:s20], $0x6400  }
0x26: {  	[sflag:s20] =	ssyncset.done $0x0  }
0x27: {  	s9 =	simm.s32 $0x0;
	[sflag:s20] =	ssyncadd.s32 $0xFFFF9C00  }
0x28: {  	v2 =	vld [tilespmem:s9+$0x30];
	_ =	sdelay $0x4  }
0x29: {  	v3 =	vld [tilespmem:s9+$0x0];
	v4 =	vshll.u32 v2, $0x2  }
0x2a: {  	v5 =	vand.u32 $0xFFFF8000, v2;
	v2 =	vshrl.u32 v2, $0xD;
	v4 =	vand.u32 $0x7FFC, v4  }
0x2b: {  	v2 =	vand.u32 $0x3, v2;
	v4 =	vor.u32 v5, v4  }
0x2c: {  	v5 =	vld [tilespmem:s9+$0x10];
	v2 =	vor.u32 v2, v4  }
0x2d: {  	s8 =	simm.s32 $0x40;
	[tilespmem:s9+$0x30] =	vst v2  }
0x2e: {  	v4 =	vshll.u32 v3, $0x2;
	v2 =	vld [tilespmem:s8+$0x30]  }
0x2f: {  	v6 =	vshrl.u32 v3, $0xD;
	v3 =	vand.u32 $0xFFFF8000, v3;
	v4 =	vand.u32 $0x7FFC, v4  }
0x30: {  	v3 =	vor.u32 v3, v4;
	v4 =	vand.u32 $0x3, v6  }
0x31: {  	v3 =	vor.u32 v4, v3;
	v4 =	vld [tilespmem:s9+$0x20];
	v6 =	vshll.u32 v5, $0x2;
	v7 =	vshrl.u32 v5, $0xD  }
0x32: {  	v5 =	vand.u32 $0xFFFF8000, v5;
	[tilespmem:s9+$0x0] =	vst v3;
	v6 =	vand.u32 $0x7FFC, v6;
	v7 =	vand.u32 $0x3, v7  }
0x33: {  	v3 =	vld [tilespmem:s8+$0x0];
	v5 =	vor.u32 v5, v6;
	v8 =	vand.u32 $0xFFFF8000, v2;
	v9 =	vshll.u32 v2, $0x2  }
0x34: {  	v2 =	vshrl.u32 v2, $0xD;
	v5 =	vor.u32 v7, v5;
	v6 =	vand.u32 $0x7FFC, v9  }
0x35: {  	v7 =	vand.u32 $0x3, v2;
	[tilespmem:s9+$0x10] =	vst v5;
	v6 =	vor.u32 v8, v6  }
0x36: {  	s11 =	simm.s32 $0x200;
	v2 =	vld [tilespmem:s8+$0x10];
	v5 =	vor.u32 v7, v6;
	v6 =	vshll.u32 v4, $0x2;
	v7 =	vshrl.u32 v4, $0xD  }
.LBB2_2:
0x37: {  	s17 =	sshra.s32 s11, $0x2;
	p0 =	sne.s32 s11, $0x18F00;
	s11 =	sadd.s32 $0x100, s11;
	[tilespmem:s8+$0x30] =	vst v5;
	v4 =	vand.u32 $0xFFFF8000, v4;
	v5 =	vand.u32 $0x7FFC, v6;
	v6 =	vand.u32 $0x3, v7  }
0x38: {  	v7 =	vld [tilespmem:s17+$0x30];
	v8 =	vshll.u32 v3, $0x2;
	v9 =	vshrl.u32 v3, $0xD;
	v4 =	vor.u32 v4, v5  }
0x39: {  	v3 =	vand.u32 $0xFFFF8000, v3;
	v5 =	vand.u32 $0x7FFC, v8;
	v4 =	vor.u32 v6, v4  }
0x3a: {  	v3 =	vor.u32 v3, v5;
	v5 =	vand.u32 $0x3, v9;
	[tilespmem:s9+$0x20] =	vst v4;
	s9 =	smov.u32 s8;
	s8 =	smov.u32 s17  }
0x3b: {  	v3 =	vor.u32 v5, v3;
	v5 =	vshll.u32 v2, $0x2;
	v6 =	vshrl.u32 v2, $0xD;
	v4 =	vld [tilespmem:s9+$0x20]  }
.Ltmp2:
0x3c: {  	v2 =	vand.u32 $0xFFFF8000, v2;
	[tilespmem:s9+$0x0] =	vst v3;
	v5 =	vand.u32 $0x7FFC, v5;
	v6 =	vand.u32 $0x3, v6;
	(pc) =	sbr.rel @p0 .LBB2_2-.Ltmp2, $4  }
0x3d: {  	v3 =	vld [tilespmem:s8+$0x0];
	v8 =	vand.u32 $0xFFFF8000, v7;
	v9 =	vshll.u32 v7, $0x2;
	v2 =	vor.u32 v2, v5  }
0x3e: {  	v7 =	vshrl.u32 v7, $0xD;
	v5 =	vand.u32 $0x7FFC, v9;
	v2 =	vor.u32 v6, v2  }
0x3f: {  	v6 =	vand.u32 $0x3, v7;
	v5 =	vor.u32 v8, v5;
	[tilespmem:s9+$0x10] =	vst v2  }
0x40: {  	v2 =	vld [tilespmem:s8+$0x10];
	v5 =	vor.u32 v6, v5;
	v6 =	vshll.u32 v4, $0x2;
	v7 =	vshrl.u32 v4, $0xD  }
0x41: {  	v4 =	vand.u32 $0xFFFF8000, v4;
	v6 =	vand.u32 $0x7FFC, v6  }
0x42: {  	v7 =	vand.u32 $0x3, v7;
	v4 =	vor.u32 v4, v6  }
0x43: {  	[tilespmem:s8+$0x30] =	vst v5;
	v4 =	vor.u32 v7, v4  }
0x44: {  	[tilespmem:s9+$0x20] =	vst v4  }
0x45: {  	v57 =	vld [tilespmem:s8+$0x20]  }
0x46: {  	v56 =	vshll.u32 v3, $0x2;
	v58 =	vshrl.u32 v3, $0xD  }
0x47: {  	v3 =	vand.u32 $0xFFFF8000, v3;
	v59 =	vand.u32 $0x3, v58;
	v4 =	vand.u32 $0x7FFC, v56  }
0x48: {  	v3 =	vor.u32 v3, v4;
	v60 =	vshll.u32 v2, $0x2;
	v61 =	vshrl.u32 v2, $0xD  }
0x49: {  	v2 =	vand.u32 $0xFFFF8000, v2;
	v3 =	vor.u32 v59, v3;
	v4 =	vand.u32 $0x7FFC, v60  }
0x4a: {  	v6 =	vand.u32 $0x3, v61;
	v2 =	vor.u32 v2, v4;
	v62 =	vshll.u32 v57, $0x2  }
0x4b: {  	v63 =	vshrl.u32 v57, $0xD;
	v5 =	vand.u32 $0xFFFF8000, v57;
	v4 =	vand.u32 $0x7FFC, v62  }
0x4c: {  	[tilespmem:s8+$0x0] =	vst v3;
	v2 =	vor.u32 v6, v2;
	v3 =	vand.u32 $0x3, v63;
	v4 =	vor.u32 v5, v4  }
0x4d: {  	[tilespmem:s8+$0x10] =	vst v2;
	v2 =	vor.u32 v3, v4  }
0x4e: {  	s11 =	simm.s32 $0x0;
	s18 =	simm.s32 $0x200;
	s19 =	simm.s32 $0x6400;
	[tilespmem:s8+$0x20] =	vst v2  }
0x4f: {  	[tilespmem:s19], [sflag:$0x1] =	stream.indirect.gather [hbm4b:s4+s18], $0x20, s11, s18, $0xb8;
	[tilespmem:$0x12800] =	vst v63  }
0x50: {  	s20 =	simm.s32 $0xA400;
	s8 =	simm.s32 $0x0  }
0x51: {  	[tilespmem:s20], [sflag:$0x2] =	stream.indirect.gather [hbm4b:s4+s18], $0x20, s18, s18, $0xb8;
	[tilespmem:$0x12800] =	vst v63  }
.LBB2_4:
0x52: {  	s9 =	simm.s32 $0x1  }
0x53: {  	_ =	swait.ge [sflag:s9], $0x4000  }
0x54: {  	p0 =	seq.s32 s8, $0x0;
	[sflag:s9] =	ssyncset.done $0x0  }
0x55: {  	[sflag:s9] =	ssyncadd.s32 $0xFFFFC000;
	s9 =	simm.s32 @!p0 $0x3  }
0x56: {  	_ =	swait.ge @!p0 [sflag:s9], $0x1000  }
0x57: {  	[sflag:s9] =	ssyncset.done @!p0 $0x0  }
0x58: {  	[sflag:s9] =	ssyncadd.s32 @!p0 $0xFFFFF000;
	s9 =	simm.s32 @!p0 $0x4  }
0x59: {  	_ =	swait.ge @!p0 [sflag:s9], $0x1000  }
0x5a: {  	[sflag:s9] =	ssyncset.done @!p0 $0x0  }
0x5b: {  	[sflag:s9] =	ssyncadd.s32 @!p0 $0xFFFFF000;
	s9 =	simm.s32 @!p0 $0x5  }
0x5c: {  	_ =	swait.ge @!p0 [sflag:s9], $0x1000  }
0x5d: {  	[sflag:s9] =	ssyncset.done @!p0 $0x0  }
0x5e: {  	[sflag:s9] =	ssyncadd.s32 @!p0 $0xFFFFF000;
	s9 =	simm.s32 @!p0 $0x6  }
0x5f: {  	s11 =	simm.s32 $0x0;
	_ =	swait.ge @!p0 [sflag:s9], $0x1000  }
0x60: {  	v2 =	vmov s11;
	[sflag:s9] =	ssyncset.done @!p0 $0x0  }
0x61: {  	s17 =	simm.s32 $0x8400;
	v2 =	vand.u32 $0x7F, v2;
	[sflag:s9] =	ssyncadd.s32 @!p0 $0xFFFFF000  }
0x62: {  	v5 =	vadd.s32 v0, v2;
	v3 =	vld [tilespmem:s17+$0xFFFFE000]  }
0x63: {  	v2 =	vadd.s32 v1, v2;
	v4 =	vld [tilespmem:s17+$0xFFFFE010];
	_ =	sdelay $0x3  }
0x64: {  	[tilespmem:v5+s13+$0x0] =	vst.idx.msk $0xffff, v3  }
0x65: {  	[tilespmem:v2+s13+$0x0] =	vst.idx.msk $0xffff, v4  }
0x66: {  	v3 =	vld [tilespmem:s17+$0xFFFFF000]  }
0x67: {  	v4 =	vld [tilespmem:s17+$0xFFFFF010];
	_ =	sdelay $0x3  }
0x68: {  	[tilespmem:v5+s14+$0x0] =	vst.idx.msk $0xffff, v3  }
0x69: {  	[tilespmem:v2+s14+$0x0] =	vst.idx.msk $0xffff, v4  }
0x6a: {  	v3 =	vld [tilespmem:s17+$0x0]  }
0x6b: {  	v4 =	vld [tilespmem:s17+$0x10];
	_ =	sdelay $0x3  }
0x6c: {  	[tilespmem:v5+s15+$0x0] =	vst.idx.msk $0xffff, v3  }
0x6d: {  	[tilespmem:v2+s15+$0x0] =	vst.idx.msk $0xffff, v4  }
0x6e: {  	v6 =	vld [tilespmem:s17+$0x1000];
	_ =	sdelay $0x1  }
0x6f: {  	v3 =	vld [tilespmem:s17+$0x1010];
	_ =	sdelay $0x1  }
0x70: {  	s20 =	simm.s32 $0x1;
	s9 =	sshll.u32 s8, $0x3  }
0x71: {  	s19 =	simm.s32 $0x2;
	s11 =	sshll.u32 s8, $0xC;
	s18 =	sadd.s32 s6, s9;
	v4 =	vmov s20;
	[tilespmem:v5+s16+$0x0] =	vst.idx.msk $0xffff, v6  }
.LBB2_5:
0x72: {  	p0 =	sne.s32 s19, $0x7F  }
0x73: {  	v4 =	vand.u32 $0x7F, v4;
	[tilespmem:v2+s16+$0x0] =	vst.idx.msk $0xffff, v3;
	s17 =	sadd.s32 $0x20, s17;
	s20 =	smov.u32 s19;
	s19 =	sadd.s32 $0x1, s19  }
0x74: {  	v3 =	vld [tilespmem:s17+$0xFFFFE000];
	v5 =	vadd.s32 v0, v4  }
0x75: {  	v2 =	vadd.s32 v1, v4;
	v6 =	vld [tilespmem:s17+$0xFFFFE010];
	_ =	sdelay $0x3  }
0x76: {  	[tilespmem:v5+s13+$0x0] =	vst.idx.msk $0xffff, v3  }
0x77: {  	[tilespmem:v2+s13+$0x0] =	vst.idx.msk $0xffff, v6  }
0x78: {  	v3 =	vld [tilespmem:s17+$0xFFFFF000]  }
0x79: {  	v4 =	vld [tilespmem:s17+$0xFFFFF010];
	_ =	sdelay $0x3  }
0x7a: {  	[tilespmem:v5+s14+$0x0] =	vst.idx.msk $0xffff, v3  }
0x7b: {  	[tilespmem:v2+s14+$0x0] =	vst.idx.msk $0xffff, v4  }
0x7c: {  	v3 =	vld [tilespmem:s17+$0x0]  }
0x7d: {  	v4 =	vld [tilespmem:s17+$0x10];
	_ =	sdelay $0x3  }
0x7e: {  	[tilespmem:v5+s15+$0x0] =	vst.idx.msk $0xffff, v3  }
0x7f: {  	[tilespmem:v2+s15+$0x0] =	vst.idx.msk $0xffff, v4  }
0x80: {  	v6 =	vld [tilespmem:s17+$0x1000]  }
.Ltmp3:
0x81: {  	v3 =	vld [tilespmem:s17+$0x1010];
	(pc) =	sbr.rel @p0 .LBB2_5-.Ltmp3, $2  }
0x82: {  	_ =	sdelay $0x2  }
0x83: {  	v4 =	vmov s20;
	[tilespmem:v5+s16+$0x0] =	vst.idx.msk $0xffff, v6  }
0x84: {  	_ =	sdelay $0x3  }
0x85: {  	v4 =	vand.u32 $0x7F, v4;
	[tilespmem:v2+s16+$0x0] =	vst.idx.msk $0xffff, v3;
	s17 =	sadd.s32 $0x20, s17  }
0x86: {  	v2 =	vld [tilespmem:s17+$0xFFFFE000];
	v3 =	vadd.s32 v0, v4  }
0x87: {  	v5 =	vld [tilespmem:s17+$0xFFFFE010];
	v4 =	vadd.s32 v1, v4;
	_ =	sdelay $0x3  }
0x88: {  	[tilespmem:v3+s13+$0x0] =	vst.idx.msk $0xffff, v2  }
0x89: {  	[tilespmem:v4+s13+$0x0] =	vst.idx.msk $0xffff, v5  }
0x8a: {  	v2 =	vld [tilespmem:s17+$0xFFFFF000]  }
0x8b: {  	v5 =	vld [tilespmem:s17+$0xFFFFF010];
	_ =	sdelay $0x3  }
0x8c: {  	[tilespmem:v3+s14+$0x0] =	vst.idx.msk $0xffff, v2  }
0x8d: {  	[tilespmem:v4+s14+$0x0] =	vst.idx.msk $0xffff, v5  }
0x8e: {  	v2 =	vld [tilespmem:s17+$0x0]  }
0x8f: {  	v5 =	vld [tilespmem:s17+$0x10];
	_ =	sdelay $0x3  }
0x90: {  	[tilespmem:v3+s15+$0x0] =	vst.idx.msk $0xffff, v2  }
0x91: {  	[tilespmem:v4+s15+$0x0] =	vst.idx.msk $0xffff, v5  }
0x92: {  	v2 =	vld [tilespmem:s17+$0x1000]  }
0x93: {  	v5 =	vld [tilespmem:s17+$0x1010];
	_ =	sdelay $0x1  }
0x94: {  	s19 =	sshll.u32 s18, $0x7  }
0x95: {  	s20 =	sshll.u32 s18, $0x9;
	s17 =	sand.u32 $0xC00, s19  }
0x96: {  	s18 =	sand.u32 $0xFFFC000, s20;
	s19 =	sadd.s32 s2, s17;
	[tilespmem:v3+s16+$0x0] =	vst.idx.msk $0xffff, v2  }
0x97: {  	s19 =	sadd.s32 s18, s19;
	[tilespmem:v4+s16+$0x0] =	vst.idx.msk $0xffff, v5  }
0x98: {  	[hbm4b:s19+s3] =	stream.linear.scatter [tilespmem:s13], [sflag:$0x3], $0x80, $0x38;
	[tilespmem:$0x12800] =	vst v63  }
0x99: {  	s20 =	sadd.s32 $0x10, s19  }
0x9a: {  	[hbm4b:s20+s3] =	stream.linear.scatter [tilespmem:s21], [sflag:$0x3], $0x80, $0x38;
	[tilespmem:$0x12800] =	vst v63  }
0x9b: {  	s21 =	sadd.s32 $0x20, s19  }
0x9c: {  	[hbm4b:s21+s3] =	stream.linear.scatter [tilespmem:s22], [sflag:$0x3], $0x80, $0x38;
	[tilespmem:$0x12800] =	vst v63  }
0x9d: {  	s21 =	sadd.s32 $0x30, s19;
	s22 =	simm.s32 $0xE598  }
0x9e: {  	[hbm4b:s21+s3] =	stream.linear.scatter [tilespmem:s22], [sflag:$0x3], $0x80, $0x38;
	[tilespmem:$0x12800] =	vst v63  }
0x9f: {  	s21 =	sadd.s32 $0x40, s19  }
0xa0: {  	[hbm4b:s21+s3] =	stream.linear.scatter [tilespmem:s23], [sflag:$0x3], $0x80, $0x38;
	[tilespmem:$0x12800] =	vst v63  }
0xa1: {  	s22 =	sadd.s32 $0x50, s19;
	s23 =	simm.s32 $0xE6A8  }
0xa2: {  	[hbm4b:s22+s3] =	stream.linear.scatter [tilespmem:s23], [sflag:$0x3], $0x80, $0x38;
	[tilespmem:$0x12800] =	vst v63  }
0xa3: {  	s22 =	sadd.s32 $0x60, s19  }
0xa4: {  	[hbm4b:s22+s3] =	stream.linear.scatter [tilespmem:s24], [sflag:$0x3], $0x80, $0x38;
	[tilespmem:$0x12800] =	vst v63  }
0xa5: {  	s23 =	sadd.s32 $0x70, s19;
	s24 =	simm.s32 $0xE7B8  }
0xa6: {  	[hbm4b:s23+s3] =	stream.linear.scatter [tilespmem:s24], [sflag:$0x3], $0x80, $0x38;
	[tilespmem:$0x12800] =	vst v63  }
0xa7: {  	s21 =	sadd.s32 $0x1000, s19  }
0xa8: {  	[hbm4b:s21+s3] =	stream.linear.scatter [tilespmem:s25], [sflag:$0x3], $0x80, $0x38;
	[tilespmem:$0x12800] =	vst v63  }
0xa9: {  	s22 =	sadd.s32 $0x1010, s19;
	s23 =	simm.s32 $0xE8C8  }
0xaa: {  	[hbm4b:s22+s3] =	stream.linear.scatter [tilespmem:s23], [sflag:$0x3], $0x80, $0x38;
	[tilespmem:$0x12800] =	vst v63  }
0xab: {  	s24 =	sadd.s32 $0x1020, s19  }
0xac: {  	[hbm4b:s24+s3] =	stream.linear.scatter [tilespmem:s26], [sflag:$0x3], $0x80, $0x38;
	[tilespmem:$0x12800] =	vst v63  }
0xad: {  	s25 =	sadd.s32 $0x1030, s19;
	s26 =	simm.s32 $0xE9D8  }
0xae: {  	[hbm4b:s25+s3] =	stream.linear.scatter [tilespmem:s26], [sflag:$0x3], $0x80, $0x38;
	[tilespmem:$0x12800] =	vst v63  }
0xaf: {  	s21 =	sadd.s32 $0x1040, s19  }
0xb0: {  	[hbm4b:s21+s3] =	stream.linear.scatter [tilespmem:s28], [sflag:$0x3], $0x80, $0x38;
	[tilespmem:$0x12800] =	vst v63  }
0xb1: {  	s22 =	sadd.s32 $0x1050, s19;
	s23 =	simm.s32 $0xEAE8  }
0xb2: {  	[hbm4b:s22+s3] =	stream.linear.scatter [tilespmem:s23], [sflag:$0x3], $0x80, $0x38;
	[tilespmem:$0x12800] =	vst v63  }
0xb3: {  	s24 =	sadd.s32 $0x1060, s19  }
0xb4: {  	[hbm4b:s24+s3] =	stream.linear.scatter [tilespmem:s29], [sflag:$0x3], $0x80, $0x38;
	[tilespmem:$0x12800] =	vst v63  }
0xb5: {  	s25 =	sadd.s32 $0x1070, s19;
	s26 =	simm.s32 $0xEBF8  }
0xb6: {  	[hbm4b:s25+s3] =	stream.linear.scatter [tilespmem:s26], [sflag:$0x3], $0x80, $0x38;
	[tilespmem:$0x12800] =	vst v63  }
0xb7: {  	s28 =	sadd.s32 $0x2000, s19  }
0xb8: {  	[hbm4b:s28+s3] =	stream.linear.scatter [tilespmem:s30], [sflag:$0x3], $0x80, $0x38;
	[tilespmem:$0x12800] =	vst v63  }
0xb9: {  	s29 =	sadd.s32 $0x2010, s19;
	s30 =	simm.s32 $0xED08  }
0xba: {  	[hbm4b:s29+s3] =	stream.linear.scatter [tilespmem:s30], [sflag:$0x3], $0x80, $0x38;
	[tilespmem:$0x12800] =	vst v63  }
0xbb: {  	s21 =	sadd.s32 $0x2020, s19  }
0xbc: {  	[hbm4b:s21+s3] =	stream.linear.scatter [tilespmem:s31], [sflag:$0x3], $0x80, $0x38;
	[tilespmem:$0x12800] =	vst v63  }
0xbd: {  	s22 =	sadd.s32 $0x2030, s19;
	s23 =	simm.s32 $0xEE18  }
0xbe: {  	[hbm4b:s22+s3] =	stream.linear.scatter [tilespmem:s23], [sflag:$0x3], $0x80, $0x38;
	[tilespmem:$0x12800] =	vst v63  }
0xbf: {  	s24 =	sadd.s32 $0x2040, s19  }
0xc0: {  	[hbm4b:s24+s3] =	stream.linear.scatter [tilespmem:s12], [sflag:$0x3], $0x80, $0x38;
	[tilespmem:$0x12800] =	vst v63  }
0xc1: {  	s25 =	sadd.s32 $0x2050, s19;
	s26 =	simm.s32 $0xEF28  }
0xc2: {  	[hbm4b:s25+s3] =	stream.linear.scatter [tilespmem:s26], [sflag:$0x3], $0x80, $0x38;
	[tilespmem:$0x12800] =	vst v63  }
0xc3: {  	s28 =	sadd.s32 $0x2060, s19  }
0xc4: {  	[hbm4b:s28+s3] =	stream.linear.scatter [tilespmem:s1], [sflag:$0x3], $0x80, $0x38;
	[tilespmem:$0x12800] =	vst v63  }
0xc5: {  	s29 =	sadd.s32 $0x2070, s19;
	s30 =	simm.s32 $0xF038  }
0xc6: {  	[hbm4b:s29+s3] =	stream.linear.scatter [tilespmem:s30], [sflag:$0x3], $0x80, $0x38;
	[tilespmem:$0x12800] =	vst v63  }
0xc7: {  	s31 =	sadd.s32 $0x3000, s19  }
0xc8: {  	[hbm4b:s31+s3] =	stream.linear.scatter [tilespmem:s0], [sflag:$0x3], $0x80, $0x38;
	[tilespmem:$0x12800] =	vst v63  }
0xc9: {  	s12 =	simm.s32 $0xF148;
	s1 =	sadd.s32 $0x3010, s19  }
0xca: {  	[hbm4b:s1+s3] =	stream.linear.scatter [tilespmem:s12], [sflag:$0x3], $0x80, $0x38;
	[tilespmem:$0x12800] =	vst v63  }
0xcb: {  	s21 =	sadd.s32 $0x3020, s19  }
0xcc: {  	[hbm4b:s21+s3] =	stream.linear.scatter [tilespmem:s10], [sflag:$0x3], $0x80, $0x38;
	[tilespmem:$0x12800] =	vst v63  }
0xcd: {  	s22 =	sadd.s32 $0x3030, s19;
	s23 =	simm.s32 $0xF258  }
0xce: {  	[hbm4b:s22+s3] =	stream.linear.scatter [tilespmem:s23], [sflag:$0x3], $0x80, $0x38;
	[tilespmem:$0x12800] =	vst v63  }
0xcf: {  	s24 =	sadd.s32 $0x3040, s19  }
0xd0: {  	[hbm4b:s24+s3] =	stream.linear.scatter [tilespmem:s5], [sflag:$0x3], $0x80, $0x38;
	[tilespmem:$0x12800] =	vst v63  }
0xd1: {  	s25 =	sadd.s32 $0x3050, s19;
	s26 =	simm.s32 $0xF368  }
0xd2: {  	[hbm4b:s25+s3] =	stream.linear.scatter [tilespmem:s26], [sflag:$0x3], $0x80, $0x38;
	[tilespmem:$0x12800] =	vst v63  }
0xd3: {  	s18 =	sadd.s32 s2, s18;
	s28 =	sadd.s32 $0x3060, s19  }
0xd4: {  	[hbm4b:s28+s3] =	stream.linear.scatter [tilespmem:s7], [sflag:$0x3], $0x80, $0x38;
	[tilespmem:$0x12800] =	vst v63  }
0xd5: {  	s17 =	sadd.s32 s17, s18;
	s19 =	sadd.s32 $0x3070, s19;
	s29 =	simm.s32 $0xF478  }
0xd6: {  	[hbm4b:s19+s3] =	stream.linear.scatter [tilespmem:s29], [sflag:$0x3], $0x80, $0x38;
	[tilespmem:$0x12800] =	vst v63  }
0xd7: {  	s18 =	sadd.s32 $0x80, s17  }
0xd8: {  	[hbm4b:s18+s3] =	stream.linear.scatter [tilespmem:s14], [sflag:$0x4], $0x80, $0x38;
	[tilespmem:$0x12800] =	vst v63  }
0xd9: {  	s30 =	sadd.s32 $0x90, s17;
	s31 =	simm.s32 $0xF588  }
0xda: {  	[hbm4b:s30+s3] =	stream.linear.scatter [tilespmem:s31], [sflag:$0x4], $0x80, $0x38;
	[tilespmem:$0x12800] =	vst v63  }
0xdb: {  	s0 =	sadd.s32 $0xA0, s17;
	s1 =	simm.s32 $0xF610  }
0xdc: {  	[hbm4b:s0+s3] =	stream.linear.scatter [tilespmem:s1], [sflag:$0x4], $0x80, $0x38;
	[tilespmem:$0x12800] =	vst v63  }
0xdd: {  	s5 =	sadd.s32 $0xB0, s17;
	s7 =	simm.s32 $0xF698  }
0xde: {  	[hbm4b:s5+s3] =	stream.linear.scatter [tilespmem:s7], [sflag:$0x4], $0x80, $0x38;
	[tilespmem:$0x12800] =	vst v63  }
0xdf: {  	s12 =	simm.s32 $0xF720;
	s10 =	sadd.s32 $0xC0, s17  }
0xe0: {  	[hbm4b:s10+s3] =	stream.linear.scatter [tilespmem:s12], [sflag:$0x4], $0x80, $0x38;
	[tilespmem:$0x12800] =	vst v63  }
0xe1: {  	s20 =	simm.s32 $0xF7A8;
	s19 =	sadd.s32 $0xD0, s17  }
0xe2: {  	[hbm4b:s19+s3] =	stream.linear.scatter [tilespmem:s20], [sflag:$0x4], $0x80, $0x38;
	[tilespmem:$0x12800] =	vst v63  }
0xe3: {  	s21 =	sadd.s32 $0xE0, s17;
	s22 =	simm.s32 $0xF830  }
0xe4: {  	[hbm4b:s21+s3] =	stream.linear.scatter [tilespmem:s22], [sflag:$0x4], $0x80, $0x38;
	[tilespmem:$0x12800] =	vst v63  }
0xe5: {  	s23 =	sadd.s32 $0xF0, s17;
	s24 =	simm.s32 $0xF8B8  }
0xe6: {  	[hbm4b:s23+s3] =	stream.linear.scatter [tilespmem:s24], [sflag:$0x4], $0x80, $0x38;
	[tilespmem:$0x12800] =	vst v63  }
0xe7: {  	s25 =	sadd.s32 $0x1080, s17;
	s26 =	simm.s32 $0xF940  }
0xe8: {  	[hbm4b:s25+s3] =	stream.linear.scatter [tilespmem:s26], [sflag:$0x4], $0x80, $0x38;
	[tilespmem:$0x12800] =	vst v63  }
0xe9: {  	s28 =	sadd.s32 $0x1090, s17;
	s29 =	simm.s32 $0xF9C8  }
0xea: {  	[hbm4b:s28+s3] =	stream.linear.scatter [tilespmem:s29], [sflag:$0x4], $0x80, $0x38;
	[tilespmem:$0x12800] =	vst v63  }
0xeb: {  	s30 =	sadd.s32 $0x10A0, s17;
	s31 =	simm.s32 $0xFA50  }
0xec: {  	[hbm4b:s30+s3] =	stream.linear.scatter [tilespmem:s31], [sflag:$0x4], $0x80, $0x38;
	[tilespmem:$0x12800] =	vst v63  }
0xed: {  	s0 =	sadd.s32 $0x10B0, s17;
	s1 =	simm.s32 $0xFAD8  }
0xee: {  	[hbm4b:s0+s3] =	stream.linear.scatter [tilespmem:s1], [sflag:$0x4], $0x80, $0x38;
	[tilespmem:$0x12800] =	vst v63  }
0xef: {  	s5 =	sadd.s32 $0x10C0, s17;
	s7 =	simm.s32 $0xFB60  }
0xf0: {  	[hbm4b:s5+s3] =	stream.linear.scatter [tilespmem:s7], [sflag:$0x4], $0x80, $0x38;
	[tilespmem:$0x12800] =	vst v63  }
0xf1: {  	s10 =	sadd.s32 $0x10D0, s17;
	s12 =	simm.s32 $0xFBE8  }
0xf2: {  	[hbm4b:s10+s3] =	stream.linear.scatter [tilespmem:s12], [sflag:$0x4], $0x80, $0x38;
	[tilespmem:$0x12800] =	vst v63  }
0xf3: {  	s19 =	sadd.s32 $0x10E0, s17;
	s20 =	simm.s32 $0xFC70  }
0xf4: {  	[hbm4b:s19+s3] =	stream.linear.scatter [tilespmem:s20], [sflag:$0x4], $0x80, $0x38;
	[tilespmem:$0x12800] =	vst v63  }
0xf5: {  	s21 =	sadd.s32 $0x10F0, s17;
	s22 =	simm.s32 $0xFCF8  }
0xf6: {  	[hbm4b:s21+s3] =	stream.linear.scatter [tilespmem:s22], [sflag:$0x4], $0x80, $0x38;
	[tilespmem:$0x12800] =	vst v63  }
0xf7: {  	s23 =	sadd.s32 $0x2080, s17;
	s24 =	simm.s32 $0xFD80  }
0xf8: {  	[hbm4b:s23+s3] =	stream.linear.scatter [tilespmem:s24], [sflag:$0x4], $0x80, $0x38;
	[tilespmem:$0x12800] =	vst v63  }
0xf9: {  	s25 =	sadd.s32 $0x2090, s17;
	s26 =	simm.s32 $0xFE08  }
0xfa: {  	[hbm4b:s25+s3] =	stream.linear.scatter [tilespmem:s26], [sflag:$0x4], $0x80, $0x38;
	[tilespmem:$0x12800] =	vst v63  }
0xfb: {  	s28 =	sadd.s32 $0x20A0, s17;
	s29 =	simm.s32 $0xFE90  }
0xfc: {  	[hbm4b:s28+s3] =	stream.linear.scatter [tilespmem:s29], [sflag:$0x4], $0x80, $0x38;
	[tilespmem:$0x12800] =	vst v63  }
0xfd: {  	s30 =	sadd.s32 $0x20B0, s17;
	s31 =	simm.s32 $0xFF18  }
0xfe: {  	[hbm4b:s30+s3] =	stream.linear.scatter [tilespmem:s31], [sflag:$0x4], $0x80, $0x38;
	[tilespmem:$0x12800] =	vst v63  }
0xff: {  	s0 =	sadd.s32 $0x20C0, s17;
	s1 =	simm.s32 $0xFFA0  }
0x100: {  	[hbm4b:s0+s3] =	stream.linear.scatter [tilespmem:s1], [sflag:$0x4], $0x80, $0x38;
	[tilespmem:$0x12800] =	vst v63  }
0x101: {  	s5 =	sadd.s32 $0x20D0, s17;
	s7 =	simm.s32 $0x10028  }
0x102: {  	[hbm4b:s5+s3] =	stream.linear.scatter [tilespmem:s7], [sflag:$0x4], $0x80, $0x38;
	[tilespmem:$0x12800] =	vst v63  }
0x103: {  	s10 =	sadd.s32 $0x20E0, s17;
	s12 =	simm.s32 $0x100B0  }
0x104: {  	[hbm4b:s10+s3] =	stream.linear.scatter [tilespmem:s12], [sflag:$0x4], $0x80, $0x38;
	[tilespmem:$0x12800] =	vst v63  }
0x105: {  	s19 =	sadd.s32 $0x20F0, s17;
	s20 =	simm.s32 $0x10138  }
0x106: {  	[hbm4b:s19+s3] =	stream.linear.scatter [tilespmem:s20], [sflag:$0x4], $0x80, $0x38;
	[tilespmem:$0x12800] =	vst v63  }
0x107: {  	s21 =	sadd.s32 $0x3080, s17;
	s22 =	simm.s32 $0x101C0  }
0x108: {  	[hbm4b:s21+s3] =	stream.linear.scatter [tilespmem:s22], [sflag:$0x4], $0x80, $0x38;
	[tilespmem:$0x12800] =	vst v63  }
0x109: {  	s23 =	sadd.s32 $0x3090, s17;
	s24 =	simm.s32 $0x10248  }
0x10a: {  	[hbm4b:s23+s3] =	stream.linear.scatter [tilespmem:s24], [sflag:$0x4], $0x80, $0x38;
	[tilespmem:$0x12800] =	vst v63  }
0x10b: {  	s25 =	sadd.s32 $0x30A0, s17;
	s26 =	simm.s32 $0x102D0  }
0x10c: {  	[hbm4b:s25+s3] =	stream.linear.scatter [tilespmem:s26], [sflag:$0x4], $0x80, $0x38;
	[tilespmem:$0x12800] =	vst v63  }
0x10d: {  	s28 =	sadd.s32 $0x30B0, s17;
	s29 =	simm.s32 $0x10358  }
0x10e: {  	[hbm4b:s28+s3] =	stream.linear.scatter [tilespmem:s29], [sflag:$0x4], $0x80, $0x38;
	[tilespmem:$0x12800] =	vst v63  }
0x10f: {  	s30 =	sadd.s32 $0x30C0, s17;
	s31 =	simm.s32 $0x103E0  }
0x110: {  	[hbm4b:s30+s3] =	stream.linear.scatter [tilespmem:s31], [sflag:$0x4], $0x80, $0x38;
	[tilespmem:$0x12800] =	vst v63  }
0x111: {  	s1 =	sadd.s32 $0x30D0, s17;
	s5 =	simm.s32 $0x10468  }
0x112: {  	[hbm4b:s1+s3] =	stream.linear.scatter [tilespmem:s5], [sflag:$0x4], $0x80, $0x38;
	[tilespmem:$0x12800] =	vst v63  }
0x113: {  	s7 =	sadd.s32 $0x30E0, s17;
	s10 =	simm.s32 $0x104F0  }
0x114: {  	[hbm4b:s7+s3] =	stream.linear.scatter [tilespmem:s10], [sflag:$0x4], $0x80, $0x38;
	[tilespmem:$0x12800] =	vst v63  }
0x115: {  	s12 =	sadd.s32 $0x30F0, s17;
	s19 =	simm.s32 $0x10578  }
0x116: {  	[hbm4b:s12+s3] =	stream.linear.scatter [tilespmem:s19], [sflag:$0x4], $0x80, $0x38;
	[tilespmem:$0x12800] =	vst v63  }
0x117: {  	s20 =	sadd.s32 $0x100, s17  }
0x118: {  	[hbm4b:s20+s3] =	stream.linear.scatter [tilespmem:s15], [sflag:$0x5], $0x80, $0x38;
	[tilespmem:$0x12800] =	vst v63  }
0x119: {  	s21 =	sadd.s32 $0x110, s17;
	s22 =	simm.s32 $0x10688  }
0x11a: {  	[hbm4b:s21+s3] =	stream.linear.scatter [tilespmem:s22], [sflag:$0x5], $0x80, $0x38;
	[tilespmem:$0x12800] =	vst v63  }
0x11b: {  	s23 =	sadd.s32 $0x120, s17;
	s24 =	simm.s32 $0x10710  }
0x11c: {  	[hbm4b:s23+s3] =	stream.linear.scatter [tilespmem:s24], [sflag:$0x5], $0x80, $0x38;
	[tilespmem:$0x12800] =	vst v63  }
0x11d: {  	s25 =	sadd.s32 $0x130, s17;
	s26 =	simm.s32 $0x10798  }
0x11e: {  	[hbm4b:s25+s3] =	stream.linear.scatter [tilespmem:s26], [sflag:$0x5], $0x80, $0x38;
	[tilespmem:$0x12800] =	vst v63  }
0x11f: {  	s28 =	sadd.s32 $0x140, s17;
	s29 =	simm.s32 $0x10820  }
0x120: {  	[hbm4b:s28+s3] =	stream.linear.scatter [tilespmem:s29], [sflag:$0x5], $0x80, $0x38;
	[tilespmem:$0x12800] =	vst v63  }
0x121: {  	s30 =	sadd.s32 $0x150, s17;
	s31 =	simm.s32 $0x108A8  }
0x122: {  	[hbm4b:s30+s3] =	stream.linear.scatter [tilespmem:s31], [sflag:$0x5], $0x80, $0x38;
	[tilespmem:$0x12800] =	vst v63  }
0x123: {  	s0 =	sadd.s32 $0x160, s17;
	s1 =	simm.s32 $0x10930  }
0x124: {  	[hbm4b:s0+s3] =	stream.linear.scatter [tilespmem:s1], [sflag:$0x5], $0x80, $0x38;
	[tilespmem:$0x12800] =	vst v63  }
0x125: {  	s5 =	sadd.s32 $0x170, s17;
	s7 =	simm.s32 $0x109B8  }
0x126: {  	[hbm4b:s5+s3] =	stream.linear.scatter [tilespmem:s7], [sflag:$0x5], $0x80, $0x38;
	[tilespmem:$0x12800] =	vst v63  }
0x127: {  	s10 =	sadd.s32 $0x1100, s17;
	s12 =	simm.s32 $0x10A40  }
0x128: {  	[hbm4b:s10+s3] =	stream.linear.scatter [tilespmem:s12], [sflag:$0x5], $0x80, $0x38;
	[tilespmem:$0x12800] =	vst v63  }
0x129: {  	s19 =	sadd.s32 $0x1110, s17;
	s20 =	simm.s32 $0x10AC8  }
0x12a: {  	[hbm4b:s19+s3] =	stream.linear.scatter [tilespmem:s20], [sflag:$0x5], $0x80, $0x38;
	[tilespmem:$0x12800] =	vst v63  }
0x12b: {  	s21 =	sadd.s32 $0x1120, s17;
	s22 =	simm.s32 $0x10B50  }
0x12c: {  	[hbm4b:s21+s3] =	stream.linear.scatter [tilespmem:s22], [sflag:$0x5], $0x80, $0x38;
	[tilespmem:$0x12800] =	vst v63  }
0x12d: {  	s23 =	sadd.s32 $0x1130, s17;
	s24 =	simm.s32 $0x10BD8  }
0x12e: {  	[hbm4b:s23+s3] =	stream.linear.scatter [tilespmem:s24], [sflag:$0x5], $0x80, $0x38;
	[tilespmem:$0x12800] =	vst v63  }
0x12f: {  	s25 =	sadd.s32 $0x1140, s17;
	s26 =	simm.s32 $0x10C60  }
0x130: {  	[hbm4b:s25+s3] =	stream.linear.scatter [tilespmem:s26], [sflag:$0x5], $0x80, $0x38;
	[tilespmem:$0x12800] =	vst v63  }
0x131: {  	s28 =	sadd.s32 $0x1150, s17;
	s29 =	simm.s32 $0x10CE8  }
0x132: {  	[hbm4b:s28+s3] =	stream.linear.scatter [tilespmem:s29], [sflag:$0x5], $0x80, $0x38;
	[tilespmem:$0x12800] =	vst v63  }
0x133: {  	s30 =	sadd.s32 $0x1160, s17;
	s31 =	simm.s32 $0x10D70  }
0x134: {  	[hbm4b:s30+s3] =	stream.linear.scatter [tilespmem:s31], [sflag:$0x5], $0x80, $0x38;
	[tilespmem:$0x12800] =	vst v63  }
0x135: {  	s0 =	sadd.s32 $0x1170, s17;
	s1 =	simm.s32 $0x10DF8  }
0x136: {  	[hbm4b:s0+s3] =	stream.linear.scatter [tilespmem:s1], [sflag:$0x5], $0x80, $0x38;
	[tilespmem:$0x12800] =	vst v63  }
0x137: {  	s5 =	sadd.s32 $0x2100, s17;
	s7 =	simm.s32 $0x10E80  }
0x138: {  	[hbm4b:s5+s3] =	stream.linear.scatter [tilespmem:s7], [sflag:$0x5], $0x80, $0x38;
	[tilespmem:$0x12800] =	vst v63  }
0x139: {  	s10 =	sadd.s32 $0x2110, s17;
	s12 =	simm.s32 $0x10F08  }
0x13a: {  	[hbm4b:s10+s3] =	stream.linear.scatter [tilespmem:s12], [sflag:$0x5], $0x80, $0x38;
	[tilespmem:$0x12800] =	vst v63  }
0x13b: {  	s19 =	sadd.s32 $0x2120, s17;
	s20 =	simm.s32 $0x10F90  }
0x13c: {  	[hbm4b:s19+s3] =	stream.linear.scatter [tilespmem:s20], [sflag:$0x5], $0x80, $0x38;
	[tilespmem:$0x12800] =	vst v63  }
0x13d: {  	s21 =	sadd.s32 $0x2130, s17;
	s22 =	simm.s32 $0x11018  }
0x13e: {  	[hbm4b:s21+s3] =	stream.linear.scatter [tilespmem:s22], [sflag:$0x5], $0x80, $0x38;
	[tilespmem:$0x12800] =	vst v63  }
0x13f: {  	s23 =	sadd.s32 $0x2140, s17;
	s24 =	simm.s32 $0x110A0  }
0x140: {  	[hbm4b:s23+s3] =	stream.linear.scatter [tilespmem:s24], [sflag:$0x5], $0x80, $0x38;
	[tilespmem:$0x12800] =	vst v63  }
0x141: {  	s25 =	sadd.s32 $0x2150, s17;
	s26 =	simm.s32 $0x11128  }
0x142: {  	[hbm4b:s25+s3] =	stream.linear.scatter [tilespmem:s26], [sflag:$0x5], $0x80, $0x38;
	[tilespmem:$0x12800] =	vst v63  }
0x143: {  	s28 =	sadd.s32 $0x2160, s17;
	s29 =	simm.s32 $0x111B0  }
0x144: {  	[hbm4b:s28+s3] =	stream.linear.scatter [tilespmem:s29], [sflag:$0x5], $0x80, $0x38;
	[tilespmem:$0x12800] =	vst v63  }
0x145: {  	s30 =	sadd.s32 $0x2170, s17;
	s31 =	simm.s32 $0x11238  }
0x146: {  	[hbm4b:s30+s3] =	stream.linear.scatter [tilespmem:s31], [sflag:$0x5], $0x80, $0x38;
	[tilespmem:$0x12800] =	vst v63  }
0x147: {  	s1 =	sadd.s32 $0x3100, s17;
	s5 =	simm.s32 $0x112C0  }
0x148: {  	[hbm4b:s1+s3] =	stream.linear.scatter [tilespmem:s5], [sflag:$0x5], $0x80, $0x38;
	[tilespmem:$0x12800] =	vst v63  }
0x149: {  	s7 =	sadd.s32 $0x3110, s17;
	s10 =	simm.s32 $0x11348  }
0x14a: {  	[hbm4b:s7+s3] =	stream.linear.scatter [tilespmem:s10], [sflag:$0x5], $0x80, $0x38;
	[tilespmem:$0x12800] =	vst v63  }
0x14b: {  	s12 =	sadd.s32 $0x3120, s17;
	s19 =	simm.s32 $0x113D0  }
0x14c: {  	[hbm4b:s12+s3] =	stream.linear.scatter [tilespmem:s19], [sflag:$0x5], $0x80, $0x38;
	[tilespmem:$0x12800] =	vst v63  }
0x14d: {  	s20 =	sadd.s32 $0x3130, s17;
	s21 =	simm.s32 $0x11458  }
0x14e: {  	[hbm4b:s20+s3] =	stream.linear.scatter [tilespmem:s21], [sflag:$0x5], $0x80, $0x38;
	[tilespmem:$0x12800] =	vst v63  }
0x14f: {  	s22 =	sadd.s32 $0x3140, s17;
	s23 =	simm.s32 $0x114E0  }
0x150: {  	[hbm4b:s22+s3] =	stream.linear.scatter [tilespmem:s23], [sflag:$0x5], $0x80, $0x38;
	[tilespmem:$0x12800] =	vst v63  }
0x151: {  	s24 =	sadd.s32 $0x3150, s17;
	s25 =	simm.s32 $0x11568  }
0x152: {  	[hbm4b:s24+s3] =	stream.linear.scatter [tilespmem:s25], [sflag:$0x5], $0x80, $0x38;
	[tilespmem:$0x12800] =	vst v63  }
0x153: {  	s26 =	sadd.s32 $0x3160, s17;
	s28 =	simm.s32 $0x115F0  }
0x154: {  	[hbm4b:s26+s3] =	stream.linear.scatter [tilespmem:s28], [sflag:$0x5], $0x80, $0x38;
	[tilespmem:$0x12800] =	vst v63  }
0x155: {  	s29 =	sadd.s32 $0x3170, s17;
	s30 =	simm.s32 $0x11678  }
0x156: {  	[hbm4b:s29+s3] =	stream.linear.scatter [tilespmem:s30], [sflag:$0x5], $0x80, $0x38;
	[tilespmem:$0x12800] =	vst v63  }
0x157: {  	s31 =	sadd.s32 $0x180, s17  }
0x158: {  	[hbm4b:s31+s3] =	stream.linear.scatter [tilespmem:s16], [sflag:$0x6], $0x80, $0x38;
	[tilespmem:$0x12800] =	vst v63  }
0x159: {  	s0 =	sadd.s32 $0x190, s17;
	s1 =	simm.s32 $0x11788  }
0x15a: {  	[hbm4b:s0+s3] =	stream.linear.scatter [tilespmem:s1], [sflag:$0x6], $0x80, $0x38;
	[tilespmem:$0x12800] =	vst v63  }
0x15b: {  	s5 =	sadd.s32 $0x1A0, s17;
	s7 =	simm.s32 $0x11810  }
0x15c: {  	[hbm4b:s5+s3] =	stream.linear.scatter [tilespmem:s7], [sflag:$0x6], $0x80, $0x38;
	[tilespmem:$0x12800] =	vst v63  }
0x15d: {  	s10 =	sadd.s32 $0x1B0, s17;
	s12 =	simm.s32 $0x11898  }
0x15e: {  	[hbm4b:s10+s3] =	stream.linear.scatter [tilespmem:s12], [sflag:$0x6], $0x80, $0x38;
	[tilespmem:$0x12800] =	vst v63  }
0x15f: {  	s19 =	sadd.s32 $0x1C0, s17;
	s20 =	simm.s32 $0x11920  }
0x160: {  	[hbm4b:s19+s3] =	stream.linear.scatter [tilespmem:s20], [sflag:$0x6], $0x80, $0x38;
	[tilespmem:$0x12800] =	vst v63  }
0x161: {  	s21 =	sadd.s32 $0x1D0, s17;
	s22 =	simm.s32 $0x119A8  }
0x162: {  	[hbm4b:s21+s3] =	stream.linear.scatter [tilespmem:s22], [sflag:$0x6], $0x80, $0x38;
	[tilespmem:$0x12800] =	vst v63  }
0x163: {  	s23 =	sadd.s32 $0x1E0, s17;
	s24 =	simm.s32 $0x11A30  }
0x164: {  	[hbm4b:s23+s3] =	stream.linear.scatter [tilespmem:s24], [sflag:$0x6], $0x80, $0x38;
	[tilespmem:$0x12800] =	vst v63  }
0x165: {  	s25 =	sadd.s32 $0x1F0, s17;
	s26 =	simm.s32 $0x11AB8  }
0x166: {  	[hbm4b:s25+s3] =	stream.linear.scatter [tilespmem:s26], [sflag:$0x6], $0x80, $0x38;
	[tilespmem:$0x12800] =	vst v63  }
0x167: {  	s28 =	sadd.s32 $0x1180, s17;
	s29 =	simm.s32 $0x11B40  }
0x168: {  	[hbm4b:s28+s3] =	stream.linear.scatter [tilespmem:s29], [sflag:$0x6], $0x80, $0x38;
	[tilespmem:$0x12800] =	vst v63  }
0x169: {  	s30 =	sadd.s32 $0x1190, s17;
	s31 =	simm.s32 $0x11BC8  }
0x16a: {  	[hbm4b:s30+s3] =	stream.linear.scatter [tilespmem:s31], [sflag:$0x6], $0x80, $0x38;
	[tilespmem:$0x12800] =	vst v63  }
0x16b: {  	s0 =	sadd.s32 $0x11A0, s17;
	s1 =	simm.s32 $0x11C50  }
0x16c: {  	[hbm4b:s0+s3] =	stream.linear.scatter [tilespmem:s1], [sflag:$0x6], $0x80, $0x38;
	[tilespmem:$0x12800] =	vst v63  }
0x16d: {  	s5 =	sadd.s32 $0x11B0, s17;
	s7 =	simm.s32 $0x11CD8  }
0x16e: {  	[hbm4b:s5+s3] =	stream.linear.scatter [tilespmem:s7], [sflag:$0x6], $0x80, $0x38;
	[tilespmem:$0x12800] =	vst v63  }
0x16f: {  	s10 =	sadd.s32 $0x11C0, s17;
	s12 =	simm.s32 $0x11D60  }
0x170: {  	[hbm4b:s10+s3] =	stream.linear.scatter [tilespmem:s12], [sflag:$0x6], $0x80, $0x38;
	[tilespmem:$0x12800] =	vst v63  }
0x171: {  	s19 =	sadd.s32 $0x11D0, s17;
	s20 =	simm.s32 $0x11DE8  }
0x172: {  	[hbm4b:s19+s3] =	stream.linear.scatter [tilespmem:s20], [sflag:$0x6], $0x80, $0x38;
	[tilespmem:$0x12800] =	vst v63  }
0x173: {  	s21 =	sadd.s32 $0x11E0, s17;
	s22 =	simm.s32 $0x11E70  }
0x174: {  	[hbm4b:s21+s3] =	stream.linear.scatter [tilespmem:s22], [sflag:$0x6], $0x80, $0x38;
	[tilespmem:$0x12800] =	vst v63  }
0x175: {  	s23 =	sadd.s32 $0x11F0, s17;
	s24 =	simm.s32 $0x11EF8  }
0x176: {  	[hbm4b:s23+s3] =	stream.linear.scatter [tilespmem:s24], [sflag:$0x6], $0x80, $0x38;
	[tilespmem:$0x12800] =	vst v63  }
0x177: {  	s25 =	sadd.s32 $0x2180, s17;
	s26 =	simm.s32 $0x11F80  }
0x178: {  	[hbm4b:s25+s3] =	stream.linear.scatter [tilespmem:s26], [sflag:$0x6], $0x80, $0x38;
	[tilespmem:$0x12800] =	vst v63  }
0x179: {  	s28 =	sadd.s32 $0x2190, s17;
	s29 =	simm.s32 $0x12008  }
0x17a: {  	[hbm4b:s28+s3] =	stream.linear.scatter [tilespmem:s29], [sflag:$0x6], $0x80, $0x38;
	[tilespmem:$0x12800] =	vst v63  }
0x17b: {  	s30 =	sadd.s32 $0x21A0, s17;
	s31 =	simm.s32 $0x12090  }
0x17c: {  	[hbm4b:s30+s3] =	stream.linear.scatter [tilespmem:s31], [sflag:$0x6], $0x80, $0x38;
	[tilespmem:$0x12800] =	vst v63  }
0x17d: {  	s0 =	sadd.s32 $0x21B0, s17;
	s1 =	simm.s32 $0x12118  }
0x17e: {  	[hbm4b:s0+s3] =	stream.linear.scatter [tilespmem:s1], [sflag:$0x6], $0x80, $0x38;
	[tilespmem:$0x12800] =	vst v63  }
0x17f: {  	s5 =	sadd.s32 $0x21C0, s17;
	s7 =	simm.s32 $0x121A0  }
0x180: {  	[hbm4b:s5+s3] =	stream.linear.scatter [tilespmem:s7], [sflag:$0x6], $0x80, $0x38;
	[tilespmem:$0x12800] =	vst v63  }
0x181: {  	s10 =	sadd.s32 $0x21D0, s17;
	s12 =	simm.s32 $0x12228  }
0x182: {  	[hbm4b:s10+s3] =	stream.linear.scatter [tilespmem:s12], [sflag:$0x6], $0x80, $0x38;
	[tilespmem:$0x12800] =	vst v63  }
0x183: {  	s19 =	sadd.s32 $0x21E0, s17;
	s20 =	simm.s32 $0x122B0  }
0x184: {  	[hbm4b:s19+s3] =	stream.linear.scatter [tilespmem:s20], [sflag:$0x6], $0x80, $0x38;
	[tilespmem:$0x12800] =	vst v63  }
0x185: {  	s21 =	sadd.s32 $0x21F0, s17;
	s22 =	simm.s32 $0x12338  }
0x186: {  	[hbm4b:s21+s3] =	stream.linear.scatter [tilespmem:s22], [sflag:$0x6], $0x80, $0x38;
	[tilespmem:$0x12800] =	vst v63  }
0x187: {  	s23 =	sadd.s32 $0x3180, s17;
	s24 =	simm.s32 $0x123C0  }
0x188: {  	[hbm4b:s23+s3] =	stream.linear.scatter [tilespmem:s24], [sflag:$0x6], $0x80, $0x38;
	[tilespmem:$0x12800] =	vst v63  }
0x189: {  	s25 =	sadd.s32 $0x3190, s17;
	s26 =	simm.s32 $0x12448  }
0x18a: {  	[hbm4b:s25+s3] =	stream.linear.scatter [tilespmem:s26], [sflag:$0x6], $0x80, $0x38;
	[tilespmem:$0x12800] =	vst v63  }
0x18b: {  	s28 =	sadd.s32 $0x31A0, s17;
	s29 =	simm.s32 $0x124D0  }
0x18c: {  	[hbm4b:s28+s3] =	stream.linear.scatter [tilespmem:s29], [sflag:$0x6], $0x80, $0x38;
	[tilespmem:$0x12800] =	vst v63  }
0x18d: {  	s30 =	sadd.s32 $0x31B0, s17;
	s31 =	simm.s32 $0x12558  }
0x18e: {  	[hbm4b:s30+s3] =	stream.linear.scatter [tilespmem:s31], [sflag:$0x6], $0x80, $0x38;
	[tilespmem:$0x12800] =	vst v63  }
0x18f: {  	s1 =	sadd.s32 $0x31C0, s17;
	s5 =	simm.s32 $0x125E0  }
0x190: {  	[hbm4b:s1+s3] =	stream.linear.scatter [tilespmem:s5], [sflag:$0x6], $0x80, $0x38;
	[tilespmem:$0x12800] =	vst v63  }
0x191: {  	s7 =	sadd.s32 $0x31D0, s17;
	s10 =	simm.s32 $0x12668  }
0x192: {  	[hbm4b:s7+s3] =	stream.linear.scatter [tilespmem:s10], [sflag:$0x6], $0x80, $0x38;
	[tilespmem:$0x12800] =	vst v63  }
0x193: {  	s12 =	sadd.s32 $0x31E0, s17;
	s19 =	simm.s32 $0x126F0  }
0x194: {  	[hbm4b:s12+s3] =	stream.linear.scatter [tilespmem:s19], [sflag:$0x6], $0x80, $0x38;
	[tilespmem:$0x12800] =	vst v63  }
0x195: {  	p0 =	seq.s32 s8, $0x18;
	s17 =	sadd.s32 $0x31F0, s17;
	s20 =	simm.s32 $0x12778  }
0x196: {  	[hbm4b:s17+s3] =	stream.linear.scatter [tilespmem:s20], [sflag:$0x6], $0x80, $0x38;
	[tilespmem:$0x12800] =	vst v63  }
0x197: {  	s18 =	simm.s32 @!p0 $0x200;
	s17 =	sshrl.u32 @!p0 s11, $0x2  }
0x198: {  	s21 =	simm.s32 $0x2;
	s19 =	simm.s32 @!p0 $0x6400;
	s17 =	sadd.s32 @!p0 $0x400, s17  }
0x199: {  	[tilespmem:s19], [sflag:$0x1] =	stream.indirect.gather @!p0 [hbm4b:s4+s18], $0x20, s17, s18, $0xb8;
	[tilespmem:$0x12800] =	vst v63  }
0x19a: {  	_ =	swait.ge [sflag:s21], $0x4000  }
0x19b: {  	[sflag:s21] =	ssyncset.done $0x0  }
0x19c: {  	s22 =	simm.s32 $0x3;
	[sflag:s21] =	ssyncadd.s32 $0xFFFFC000  }
0x19d: {  	_ =	swait.ge [sflag:s22], $0x1000  }
0x19e: {  	[sflag:s22] =	ssyncset.done $0x0  }
0x19f: {  	s23 =	simm.s32 $0x4;
	[sflag:s22] =	ssyncadd.s32 $0xFFFFF000  }
0x1a0: {  	_ =	swait.ge [sflag:s23], $0x1000  }
0x1a1: {  	[sflag:s23] =	ssyncset.done $0x0  }
0x1a2: {  	s25 =	simm.s32 $0x5;
	[sflag:s23] =	ssyncadd.s32 $0xFFFFF000  }
0x1a3: {  	_ =	swait.ge [sflag:s25], $0x1000  }
0x1a4: {  	[sflag:s25] =	ssyncset.done $0x0  }
0x1a5: {  	s29 =	simm.s32 $0x6;
	[sflag:s25] =	ssyncadd.s32 $0xFFFFF000  }
0x1a6: {  	s30 =	simm.s32 $0x0;
	_ =	swait.ge [sflag:s29], $0x1000  }
0x1a7: {  	v2 =	vmov s30;
	[sflag:s29] =	ssyncset.done $0x0  }
0x1a8: {  	v2 =	vand.u32 $0x7F, v2;
	s20 =	simm.s32 $0xC400;
	[sflag:s29] =	ssyncadd.s32 $0xFFFFF000  }
0x1a9: {  	v5 =	vadd.s32 v0, v2;
	v3 =	vld [tilespmem:s20+$0xFFFFE000]  }
0x1aa: {  	v2 =	vadd.s32 v1, v2;
	v4 =	vld [tilespmem:s20+$0xFFFFE010];
	_ =	sdelay $0x3  }
0x1ab: {  	[tilespmem:v5+s13+$0x0] =	vst.idx.msk $0xffff, v3  }
0x1ac: {  	[tilespmem:v2+s13+$0x0] =	vst.idx.msk $0xffff, v4  }
0x1ad: {  	v3 =	vld [tilespmem:s20+$0xFFFFF000]  }
0x1ae: {  	v4 =	vld [tilespmem:s20+$0xFFFFF010];
	_ =	sdelay $0x3  }
0x1af: {  	[tilespmem:v5+s14+$0x0] =	vst.idx.msk $0xffff, v3  }
0x1b0: {  	[tilespmem:v2+s14+$0x0] =	vst.idx.msk $0xffff, v4  }
0x1b1: {  	v3 =	vld [tilespmem:s20+$0x0]  }
0x1b2: {  	v4 =	vld [tilespmem:s20+$0x10];
	_ =	sdelay $0x3  }
0x1b3: {  	s9 =	sadd.s32 s9, s6;
	[tilespmem:v5+s15+$0x0] =	vst.idx.msk $0xffff, v3  }
0x1b4: {  	s9 =	sadd.s32 $0x4, s9;
	[tilespmem:v2+s15+$0x0] =	vst.idx.msk $0xffff, v4  }
0x1b5: {  	s24 =	sshll.u32 s9, $0x9;
	v6 =	vld [tilespmem:s20+$0x1000]  }
0x1b6: {  	s9 =	sshll.u32 s9, $0x7;
	s17 =	sand.u32 $0xFFFC000, s24  }
0x1b7: {  	s9 =	sand.u32 $0xE00, s9;
	s26 =	sadd.s32 s2, s17;
	v3 =	vld [tilespmem:s20+$0x1010]  }
0x1b8: {  	s28 =	sadd.s32 s2, s9;
	s9 =	sadd.s32 s9, s26  }
0x1b9: {  	s31 =	simm.s32 $0x1;
	s19 =	sadd.s32 s17, s28;
	s18 =	sadd.s32 $0x80, s9  }
0x1ba: {  	s17 =	sadd.s32 $0x100, s9;
	s9 =	sadd.s32 $0x180, s9;
	s21 =	simm.s32 $0x2;
	v4 =	vmov s31;
	[tilespmem:v5+s16+$0x0] =	vst.idx.msk $0xffff, v6  }
.LBB2_7:
0x1bb: {  	p1 =	seq.s32 s21, $0x7F  }
0x1bc: {  	v4 =	vand.u32 $0x7F, v4;
	[tilespmem:v2+s16+$0x0] =	vst.idx.msk $0xffff, v3;
	s20 =	sadd.s32 $0x20, s20;
	s22 =	smov.u32 s21;
	s21 =	sadd.s32 $0x1, s21  }
0x1bd: {  	v3 =	vld [tilespmem:s20+$0xFFFFE000];
	v5 =	vadd.s32 v0, v4  }
0x1be: {  	v2 =	vadd.s32 v1, v4;
	v6 =	vld [tilespmem:s20+$0xFFFFE010];
	_ =	sdelay $0x3  }
0x1bf: {  	[tilespmem:v5+s13+$0x0] =	vst.idx.msk $0xffff, v3  }
0x1c0: {  	[tilespmem:v2+s13+$0x0] =	vst.idx.msk $0xffff, v6  }
0x1c1: {  	v3 =	vld [tilespmem:s20+$0xFFFFF000]  }
0x1c2: {  	v4 =	vld [tilespmem:s20+$0xFFFFF010];
	_ =	sdelay $0x3  }
0x1c3: {  	[tilespmem:v5+s14+$0x0] =	vst.idx.msk $0xffff, v3  }
0x1c4: {  	[tilespmem:v2+s14+$0x0] =	vst.idx.msk $0xffff, v4  }
0x1c5: {  	v3 =	vld [tilespmem:s20+$0x0]  }
0x1c6: {  	v4 =	vld [tilespmem:s20+$0x10];
	_ =	sdelay $0x3  }
0x1c7: {  	[tilespmem:v5+s15+$0x0] =	vst.idx.msk $0xffff, v3  }
0x1c8: {  	[tilespmem:v2+s15+$0x0] =	vst.idx.msk $0xffff, v4  }
0x1c9: {  	v6 =	vld [tilespmem:s20+$0x1000]  }
.Ltmp4:
0x1ca: {  	v3 =	vld [tilespmem:s20+$0x1010];
	(pc) =	sbr.rel @!p1 .LBB2_7-.Ltmp4, $2  }
0x1cb: {  	_ =	sdelay $0x2  }
0x1cc: {  	v4 =	vmov s22;
	[tilespmem:v5+s16+$0x0] =	vst.idx.msk $0xffff, v6  }
0x1cd: {  	_ =	sdelay $0x3  }
0x1ce: {  	v4 =	vand.u32 $0x7F, v4;
	[tilespmem:v2+s16+$0x0] =	vst.idx.msk $0xffff, v3;
	s20 =	sadd.s32 $0x20, s20  }
0x1cf: {  	v2 =	vld [tilespmem:s20+$0xFFFFE000];
	v3 =	vadd.s32 v0, v4  }
0x1d0: {  	v5 =	vld [tilespmem:s20+$0xFFFFE010];
	v4 =	vadd.s32 v1, v4;
	_ =	sdelay $0x3  }
0x1d1: {  	[tilespmem:v3+s13+$0x0] =	vst.idx.msk $0xffff, v2  }
0x1d2: {  	[tilespmem:v4+s13+$0x0] =	vst.idx.msk $0xffff, v5  }
0x1d3: {  	v2 =	vld [tilespmem:s20+$0xFFFFF000]  }
0x1d4: {  	v5 =	vld [tilespmem:s20+$0xFFFFF010];
	_ =	sdelay $0x3  }
0x1d5: {  	[tilespmem:v3+s14+$0x0] =	vst.idx.msk $0xffff, v2  }
0x1d6: {  	[tilespmem:v4+s14+$0x0] =	vst.idx.msk $0xffff, v5  }
0x1d7: {  	v2 =	vld [tilespmem:s20+$0x0]  }
0x1d8: {  	v5 =	vld [tilespmem:s20+$0x10];
	_ =	sdelay $0x3  }
0x1d9: {  	[tilespmem:v3+s15+$0x0] =	vst.idx.msk $0xffff, v2  }
0x1da: {  	[tilespmem:v4+s15+$0x0] =	vst.idx.msk $0xffff, v5  }
0x1db: {  	v2 =	vld [tilespmem:s20+$0x1000]  }
0x1dc: {  	v5 =	vld [tilespmem:s20+$0x1010];
	_ =	sdelay $0x3  }
0x1dd: {  	[tilespmem:v3+s16+$0x0] =	vst.idx.msk $0xffff, v2  }
0x1de: {  	[tilespmem:v4+s16+$0x0] =	vst.idx.msk $0xffff, v5  }
0x1df: {  	[hbm4b:s19+s3] =	stream.linear.scatter [tilespmem:s13], [sflag:$0x3], $0x80, $0x38;
	[tilespmem:$0x12800] =	vst v63  }
0x1e0: {  	s7 =	sadd.s32 $0x10, s19;
	s21 =	simm.s32 $0xE488  }
0x1e1: {  	[hbm4b:s7+s3] =	stream.linear.scatter [tilespmem:s21], [sflag:$0x3], $0x80, $0x38;
	[tilespmem:$0x12800] =	vst v63  }
0x1e2: {  	s22 =	simm.s32 $0xE510;
	s10 =	sadd.s32 $0x20, s19  }
0x1e3: {  	[hbm4b:s10+s3] =	stream.linear.scatter [tilespmem:s22], [sflag:$0x3], $0x80, $0x38;
	[tilespmem:$0x12800] =	vst v63  }
0x1e4: {  	s12 =	sadd.s32 $0x30, s19;
	s23 =	simm.s32 $0xE598  }
0x1e5: {  	[hbm4b:s12+s3] =	stream.linear.scatter [tilespmem:s23], [sflag:$0x3], $0x80, $0x38;
	[tilespmem:$0x12800] =	vst v63  }
0x1e6: {  	s24 =	sadd.s32 $0x40, s19;
	s23 =	simm.s32 $0xE620  }
0x1e7: {  	[hbm4b:s24+s3] =	stream.linear.scatter [tilespmem:s23], [sflag:$0x3], $0x80, $0x38;
	[tilespmem:$0x12800] =	vst v63  }
0x1e8: {  	s25 =	sadd.s32 $0x50, s19;
	s24 =	simm.s32 $0xE6A8  }
0x1e9: {  	[hbm4b:s25+s3] =	stream.linear.scatter [tilespmem:s24], [sflag:$0x3], $0x80, $0x38;
	[tilespmem:$0x12800] =	vst v63  }
0x1ea: {  	s26 =	sadd.s32 $0x60, s19;
	s24 =	simm.s32 $0xE730  }
0x1eb: {  	[hbm4b:s26+s3] =	stream.linear.scatter [tilespmem:s24], [sflag:$0x3], $0x80, $0x38;
	[tilespmem:$0x12800] =	vst v63  }
0x1ec: {  	s0 =	sadd.s32 $0x70, s19;
	s25 =	simm.s32 $0xE7B8  }
0x1ed: {  	[hbm4b:s0+s3] =	stream.linear.scatter [tilespmem:s25], [sflag:$0x3], $0x80, $0x38;
	[tilespmem:$0x12800] =	vst v63  }
0x1ee: {  	s1 =	sadd.s32 $0x1000, s19;
	s25 =	simm.s32 $0xE840  }
0x1ef: {  	[hbm4b:s1+s3] =	stream.linear.scatter [tilespmem:s25], [sflag:$0x3], $0x80, $0x38;
	[tilespmem:$0x12800] =	vst v63  }
0x1f0: {  	s5 =	sadd.s32 $0x1010, s19;
	s26 =	simm.s32 $0xE8C8  }
0x1f1: {  	[hbm4b:s5+s3] =	stream.linear.scatter [tilespmem:s26], [sflag:$0x3], $0x80, $0x38;
	[tilespmem:$0x12800] =	vst v63  }
0x1f2: {  	s7 =	sadd.s32 $0x1020, s19;
	s26 =	simm.s32 $0xE950  }
0x1f3: {  	[hbm4b:s7+s3] =	stream.linear.scatter [tilespmem:s26], [sflag:$0x3], $0x80, $0x38;
	[tilespmem:$0x12800] =	vst v63  }
0x1f4: {  	s28 =	simm.s32 $0xE9D8;
	s10 =	sadd.s32 $0x1030, s19  }
0x1f5: {  	[hbm4b:s10+s3] =	stream.linear.scatter [tilespmem:s28], [sflag:$0x3], $0x80, $0x38;
	[tilespmem:$0x12800] =	vst v63  }
0x1f6: {  	s12 =	sadd.s32 $0x1040, s19;
	s28 =	simm.s32 $0xEA60  }
0x1f7: {  	[hbm4b:s12+s3] =	stream.linear.scatter [tilespmem:s28], [sflag:$0x3], $0x80, $0x38;
	[tilespmem:$0x12800] =	vst v63  }
0x1f8: {  	s29 =	simm.s32 $0xEAE8;
	s0 =	sadd.s32 $0x1050, s19  }
0x1f9: {  	[hbm4b:s0+s3] =	stream.linear.scatter [tilespmem:s29], [sflag:$0x3], $0x80, $0x38;
	[tilespmem:$0x12800] =	vst v63  }
0x1fa: {  	s1 =	sadd.s32 $0x1060, s19;
	s29 =	simm.s32 $0xEB70  }
0x1fb: {  	[hbm4b:s1+s3] =	stream.linear.scatter [tilespmem:s29], [sflag:$0x3], $0x80, $0x38;
	[tilespmem:$0x12800] =	vst v63  }
0x1fc: {  	s30 =	simm.s32 $0xEBF8;
	s5 =	sadd.s32 $0x1070, s19  }
0x1fd: {  	[hbm4b:s5+s3] =	stream.linear.scatter [tilespmem:s30], [sflag:$0x3], $0x80, $0x38;
	[tilespmem:$0x12800] =	vst v63  }
0x1fe: {  	s7 =	sadd.s32 $0x2000, s19;
	s30 =	simm.s32 $0xEC80  }
0x1ff: {  	[hbm4b:s7+s3] =	stream.linear.scatter [tilespmem:s30], [sflag:$0x3], $0x80, $0x38;
	[tilespmem:$0x12800] =	vst v63  }
0x200: {  	s31 =	simm.s32 $0xED08;
	s10 =	sadd.s32 $0x2010, s19  }
0x201: {  	[hbm4b:s10+s3] =	stream.linear.scatter [tilespmem:s31], [sflag:$0x3], $0x80, $0x38;
	[tilespmem:$0x12800] =	vst v63  }
0x202: {  	s12 =	sadd.s32 $0x2020, s19;
	s31 =	simm.s32 $0xED90  }
0x203: {  	[hbm4b:s12+s3] =	stream.linear.scatter [tilespmem:s31], [sflag:$0x3], $0x80, $0x38;
	[tilespmem:$0x12800] =	vst v63  }
0x204: {  	s0 =	sadd.s32 $0x2030, s19;
	s12 =	simm.s32 $0xEE18  }
0x205: {  	[hbm4b:s0+s3] =	stream.linear.scatter [tilespmem:s12], [sflag:$0x3], $0x80, $0x38;
	[tilespmem:$0x12800] =	vst v63  }
0x206: {  	s1 =	sadd.s32 $0x2040, s19;
	s12 =	simm.s32 $0xEEA0  }
0x207: {  	[hbm4b:s1+s3] =	stream.linear.scatter [tilespmem:s12], [sflag:$0x3], $0x80, $0x38;
	[tilespmem:$0x12800] =	vst v63  }
0x208: {  	s5 =	sadd.s32 $0x2050, s19;
	s1 =	simm.s32 $0xEF28  }
0x209: {  	[hbm4b:s5+s3] =	stream.linear.scatter [tilespmem:s1], [sflag:$0x3], $0x80, $0x38;
	[tilespmem:$0x12800] =	vst v63  }
0x20a: {  	s7 =	sadd.s32 $0x2060, s19;
	s1 =	simm.s32 $0xEFB0  }
0x20b: {  	[hbm4b:s7+s3] =	stream.linear.scatter [tilespmem:s1], [sflag:$0x3], $0x80, $0x38;
	[tilespmem:$0x12800] =	vst v63  }
0x20c: {  	s10 =	sadd.s32 $0x2070, s19;
	s0 =	simm.s32 $0xF038  }
0x20d: {  	[hbm4b:s10+s3] =	stream.linear.scatter [tilespmem:s0], [sflag:$0x3], $0x80, $0x38;
	[tilespmem:$0x12800] =	vst v63  }
0x20e: {  	s5 =	sadd.s32 $0x3000, s19;
	s0 =	simm.s32 $0xF0C0  }
0x20f: {  	[hbm4b:s5+s3] =	stream.linear.scatter [tilespmem:s0], [sflag:$0x3], $0x80, $0x38;
	[tilespmem:$0x12800] =	vst v63  }
0x210: {  	s7 =	sadd.s32 $0x3010, s19;
	s10 =	simm.s32 $0xF148  }
0x211: {  	[hbm4b:s7+s3] =	stream.linear.scatter [tilespmem:s10], [sflag:$0x3], $0x80, $0x38;
	[tilespmem:$0x12800] =	vst v63  }
0x212: {  	s5 =	sadd.s32 $0x3020, s19;
	s10 =	simm.s32 $0xF1D0  }
0x213: {  	[hbm4b:s5+s3] =	stream.linear.scatter [tilespmem:s10], [sflag:$0x3], $0x80, $0x38;
	[tilespmem:$0x12800] =	vst v63  }
0x214: {  	s7 =	sadd.s32 $0x3030, s19;
	s5 =	simm.s32 $0xF258  }
0x215: {  	[hbm4b:s7+s3] =	stream.linear.scatter [tilespmem:s5], [sflag:$0x3], $0x80, $0x38;
	[tilespmem:$0x12800] =	vst v63  }
0x216: {  	s7 =	sadd.s32 $0x3040, s19;
	s5 =	simm.s32 $0xF2E0  }
0x217: {  	[hbm4b:s7+s3] =	stream.linear.scatter [tilespmem:s5], [sflag:$0x3], $0x80, $0x38;
	[tilespmem:$0x12800] =	vst v63  }
0x218: {  	s20 =	sadd.s32 $0x3050, s19;
	s7 =	simm.s32 $0xF368  }
0x219: {  	[hbm4b:s20+s3] =	stream.linear.scatter [tilespmem:s7], [sflag:$0x3], $0x80, $0x38;
	[tilespmem:$0x12800] =	vst v63  }
0x21a: {  	s20 =	sadd.s32 $0x3060, s19;
	s7 =	simm.s32 $0xF3F0  }
0x21b: {  	[hbm4b:s20+s3] =	stream.linear.scatter [tilespmem:s7], [sflag:$0x3], $0x80, $0x38;
	[tilespmem:$0x12800] =	vst v63  }
0x21c: {  	s19 =	sadd.s32 $0x3070, s19;
	s20 =	simm.s32 $0xF478  }
0x21d: {  	[hbm4b:s19+s3] =	stream.linear.scatter [tilespmem:s20], [sflag:$0x3], $0x80, $0x38;
	[tilespmem:$0x12800] =	vst v63  }
0x21e: {  	_ = 	snop  }
0x21f: {  	[hbm4b:s18+s3] =	stream.linear.scatter [tilespmem:s14], [sflag:$0x4], $0x80, $0x38;
	[tilespmem:$0x12800] =	vst v63  }
0x220: {  	s19 =	sadd.s32 $0x10, s18;
	s20 =	simm.s32 $0xF588  }
0x221: {  	[hbm4b:s19+s3] =	stream.linear.scatter [tilespmem:s20], [sflag:$0x4], $0x80, $0x38;
	[tilespmem:$0x12800] =	vst v63  }
0x222: {  	s19 =	sadd.s32 $0x20, s18;
	s20 =	simm.s32 $0xF610  }
0x223: {  	[hbm4b:s19+s3] =	stream.linear.scatter [tilespmem:s20], [sflag:$0x4], $0x80, $0x38;
	[tilespmem:$0x12800] =	vst v63  }
0x224: {  	s19 =	sadd.s32 $0x30, s18;
	s20 =	simm.s32 $0xF698  }
0x225: {  	[hbm4b:s19+s3] =	stream.linear.scatter [tilespmem:s20], [sflag:$0x4], $0x80, $0x38;
	[tilespmem:$0x12800] =	vst v63  }
0x226: {  	s19 =	sadd.s32 $0x40, s18;
	s20 =	simm.s32 $0xF720  }
0x227: {  	[hbm4b:s19+s3] =	stream.linear.scatter [tilespmem:s20], [sflag:$0x4], $0x80, $0x38;
	[tilespmem:$0x12800] =	vst v63  }
0x228: {  	s19 =	sadd.s32 $0x50, s18;
	s20 =	simm.s32 $0xF7A8  }
0x229: {  	[hbm4b:s19+s3] =	stream.linear.scatter [tilespmem:s20], [sflag:$0x4], $0x80, $0x38;
	[tilespmem:$0x12800] =	vst v63  }
0x22a: {  	s19 =	sadd.s32 $0x60, s18;
	s20 =	simm.s32 $0xF830  }
0x22b: {  	[hbm4b:s19+s3] =	stream.linear.scatter [tilespmem:s20], [sflag:$0x4], $0x80, $0x38;
	[tilespmem:$0x12800] =	vst v63  }
0x22c: {  	s19 =	sadd.s32 $0x70, s18;
	s20 =	simm.s32 $0xF8B8  }
0x22d: {  	[hbm4b:s19+s3] =	stream.linear.scatter [tilespmem:s20], [sflag:$0x4], $0x80, $0x38;
	[tilespmem:$0x12800] =	vst v63  }
0x22e: {  	s19 =	sadd.s32 $0x1000, s18;
	s20 =	simm.s32 $0xF940  }
0x22f: {  	[hbm4b:s19+s3] =	stream.linear.scatter [tilespmem:s20], [sflag:$0x4], $0x80, $0x38;
	[tilespmem:$0x12800] =	vst v63  }
0x230: {  	s19 =	sadd.s32 $0x1010, s18;
	s20 =	simm.s32 $0xF9C8  }
0x231: {  	[hbm4b:s19+s3] =	stream.linear.scatter [tilespmem:s20], [sflag:$0x4], $0x80, $0x38;
	[tilespmem:$0x12800] =	vst v63  }
0x232: {  	s19 =	sadd.s32 $0x1020, s18;
	s20 =	simm.s32 $0xFA50  }
0x233: {  	[hbm4b:s19+s3] =	stream.linear.scatter [tilespmem:s20], [sflag:$0x4], $0x80, $0x38;
	[tilespmem:$0x12800] =	vst v63  }
0x234: {  	s19 =	sadd.s32 $0x1030, s18;
	s20 =	simm.s32 $0xFAD8  }
0x235: {  	[hbm4b:s19+s3] =	stream.linear.scatter [tilespmem:s20], [sflag:$0x4], $0x80, $0x38;
	[tilespmem:$0x12800] =	vst v63  }
0x236: {  	s19 =	sadd.s32 $0x1040, s18;
	s20 =	simm.s32 $0xFB60  }
0x237: {  	[hbm4b:s19+s3] =	stream.linear.scatter [tilespmem:s20], [sflag:$0x4], $0x80, $0x38;
	[tilespmem:$0x12800] =	vst v63  }
0x238: {  	s19 =	sadd.s32 $0x1050, s18;
	s20 =	simm.s32 $0xFBE8  }
0x239: {  	[hbm4b:s19+s3] =	stream.linear.scatter [tilespmem:s20], [sflag:$0x4], $0x80, $0x38;
	[tilespmem:$0x12800] =	vst v63  }
0x23a: {  	s19 =	sadd.s32 $0x1060, s18;
	s20 =	simm.s32 $0xFC70  }
0x23b: {  	[hbm4b:s19+s3] =	stream.linear.scatter [tilespmem:s20], [sflag:$0x4], $0x80, $0x38;
	[tilespmem:$0x12800] =	vst v63  }
0x23c: {  	s19 =	sadd.s32 $0x1070, s18;
	s20 =	simm.s32 $0xFCF8  }
0x23d: {  	[hbm4b:s19+s3] =	stream.linear.scatter [tilespmem:s20], [sflag:$0x4], $0x80, $0x38;
	[tilespmem:$0x12800] =	vst v63  }
0x23e: {  	s19 =	sadd.s32 $0x2000, s18;
	s20 =	simm.s32 $0xFD80  }
0x23f: {  	[hbm4b:s19+s3] =	stream.linear.scatter [tilespmem:s20], [sflag:$0x4], $0x80, $0x38;
	[tilespmem:$0x12800] =	vst v63  }
0x240: {  	s19 =	sadd.s32 $0x2010, s18;
	s20 =	simm.s32 $0xFE08  }
0x241: {  	[hbm4b:s19+s3] =	stream.linear.scatter [tilespmem:s20], [sflag:$0x4], $0x80, $0x38;
	[tilespmem:$0x12800] =	vst v63  }
0x242: {  	s19 =	sadd.s32 $0x2020, s18;
	s20 =	simm.s32 $0xFE90  }
0x243: {  	[hbm4b:s19+s3] =	stream.linear.scatter [tilespmem:s20], [sflag:$0x4], $0x80, $0x38;
	[tilespmem:$0x12800] =	vst v63  }
0x244: {  	s19 =	sadd.s32 $0x2030, s18;
	s20 =	simm.s32 $0xFF18  }
0x245: {  	[hbm4b:s19+s3] =	stream.linear.scatter [tilespmem:s20], [sflag:$0x4], $0x80, $0x38;
	[tilespmem:$0x12800] =	vst v63  }
0x246: {  	s19 =	sadd.s32 $0x2040, s18;
	s20 =	simm.s32 $0xFFA0  }
0x247: {  	[hbm4b:s19+s3] =	stream.linear.scatter [tilespmem:s20], [sflag:$0x4], $0x80, $0x38;
	[tilespmem:$0x12800] =	vst v63  }
0x248: {  	s19 =	sadd.s32 $0x2050, s18;
	s20 =	simm.s32 $0x10028  }
0x249: {  	[hbm4b:s19+s3] =	stream.linear.scatter [tilespmem:s20], [sflag:$0x4], $0x80, $0x38;
	[tilespmem:$0x12800] =	vst v63  }
0x24a: {  	s19 =	sadd.s32 $0x2060, s18;
	s20 =	simm.s32 $0x100B0  }
0x24b: {  	[hbm4b:s19+s3] =	stream.linear.scatter [tilespmem:s20], [sflag:$0x4], $0x80, $0x38;
	[tilespmem:$0x12800] =	vst v63  }
0x24c: {  	s19 =	sadd.s32 $0x2070, s18;
	s20 =	simm.s32 $0x10138  }
0x24d: {  	[hbm4b:s19+s3] =	stream.linear.scatter [tilespmem:s20], [sflag:$0x4], $0x80, $0x38;
	[tilespmem:$0x12800] =	vst v63  }
0x24e: {  	s19 =	sadd.s32 $0x3000, s18;
	s20 =	simm.s32 $0x101C0  }
0x24f: {  	[hbm4b:s19+s3] =	stream.linear.scatter [tilespmem:s20], [sflag:$0x4], $0x80, $0x38;
	[tilespmem:$0x12800] =	vst v63  }
0x250: {  	s19 =	sadd.s32 $0x3010, s18;
	s20 =	simm.s32 $0x10248  }
0x251: {  	[hbm4b:s19+s3] =	stream.linear.scatter [tilespmem:s20], [sflag:$0x4], $0x80, $0x38;
	[tilespmem:$0x12800] =	vst v63  }
0x252: {  	s19 =	sadd.s32 $0x3020, s18;
	s20 =	simm.s32 $0x102D0  }
0x253: {  	[hbm4b:s19+s3] =	stream.linear.scatter [tilespmem:s20], [sflag:$0x4], $0x80, $0x38;
	[tilespmem:$0x12800] =	vst v63  }
0x254: {  	s19 =	sadd.s32 $0x3030, s18;
	s20 =	simm.s32 $0x10358  }
0x255: {  	[hbm4b:s19+s3] =	stream.linear.scatter [tilespmem:s20], [sflag:$0x4], $0x80, $0x38;
	[tilespmem:$0x12800] =	vst v63  }
0x256: {  	s19 =	sadd.s32 $0x3040, s18;
	s20 =	simm.s32 $0x103E0  }
0x257: {  	[hbm4b:s19+s3] =	stream.linear.scatter [tilespmem:s20], [sflag:$0x4], $0x80, $0x38;
	[tilespmem:$0x12800] =	vst v63  }
0x258: {  	s19 =	sadd.s32 $0x3050, s18;
	s20 =	simm.s32 $0x10468  }
0x259: {  	[hbm4b:s19+s3] =	stream.linear.scatter [tilespmem:s20], [sflag:$0x4], $0x80, $0x38;
	[tilespmem:$0x12800] =	vst v63  }
0x25a: {  	s19 =	sadd.s32 $0x3060, s18;
	s20 =	simm.s32 $0x104F0  }
0x25b: {  	[hbm4b:s19+s3] =	stream.linear.scatter [tilespmem:s20], [sflag:$0x4], $0x80, $0x38;
	[tilespmem:$0x12800] =	vst v63  }
0x25c: {  	s19 =	sadd.s32 $0x3070, s18;
	s20 =	simm.s32 $0x10578  }
0x25d: {  	[hbm4b:s19+s3] =	stream.linear.scatter [tilespmem:s20], [sflag:$0x4], $0x80, $0x38;
	[tilespmem:$0x12800] =	vst v63  }
0x25e: {  	_ = 	snop  }
0x25f: {  	[hbm4b:s17+s3] =	stream.linear.scatter [tilespmem:s15], [sflag:$0x5], $0x80, $0x38;
	[tilespmem:$0x12800] =	vst v63  }
0x260: {  	s19 =	sadd.s32 $0x10, s17;
	s20 =	simm.s32 $0x10688  }
0x261: {  	[hbm4b:s19+s3] =	stream.linear.scatter [tilespmem:s20], [sflag:$0x5], $0x80, $0x38;
	[tilespmem:$0x12800] =	vst v63  }
0x262: {  	s19 =	sadd.s32 $0x20, s17;
	s20 =	simm.s32 $0x10710  }
0x263: {  	[hbm4b:s19+s3] =	stream.linear.scatter [tilespmem:s20], [sflag:$0x5], $0x80, $0x38;
	[tilespmem:$0x12800] =	vst v63  }
0x264: {  	s19 =	sadd.s32 $0x30, s17;
	s20 =	simm.s32 $0x10798  }
0x265: {  	[hbm4b:s19+s3] =	stream.linear.scatter [tilespmem:s20], [sflag:$0x5], $0x80, $0x38;
	[tilespmem:$0x12800] =	vst v63  }
0x266: {  	s19 =	sadd.s32 $0x40, s17;
	s20 =	simm.s32 $0x10820  }
0x267: {  	[hbm4b:s19+s3] =	stream.linear.scatter [tilespmem:s20], [sflag:$0x5], $0x80, $0x38;
	[tilespmem:$0x12800] =	vst v63  }
0x268: {  	s19 =	sadd.s32 $0x50, s17;
	s20 =	simm.s32 $0x108A8  }
0x269: {  	[hbm4b:s19+s3] =	stream.linear.scatter [tilespmem:s20], [sflag:$0x5], $0x80, $0x38;
	[tilespmem:$0x12800] =	vst v63  }
0x26a: {  	s19 =	sadd.s32 $0x60, s17;
	s20 =	simm.s32 $0x10930  }
0x26b: {  	[hbm4b:s19+s3] =	stream.linear.scatter [tilespmem:s20], [sflag:$0x5], $0x80, $0x38;
	[tilespmem:$0x12800] =	vst v63  }
0x26c: {  	s19 =	sadd.s32 $0x70, s17;
	s20 =	simm.s32 $0x109B8  }
0x26d: {  	[hbm4b:s19+s3] =	stream.linear.scatter [tilespmem:s20], [sflag:$0x5], $0x80, $0x38;
	[tilespmem:$0x12800] =	vst v63  }
0x26e: {  	s19 =	sadd.s32 $0x1000, s17;
	s20 =	simm.s32 $0x10A40  }
0x26f: {  	[hbm4b:s19+s3] =	stream.linear.scatter [tilespmem:s20], [sflag:$0x5], $0x80, $0x38;
	[tilespmem:$0x12800] =	vst v63  }
0x270: {  	s19 =	sadd.s32 $0x1010, s17;
	s20 =	simm.s32 $0x10AC8  }
0x271: {  	[hbm4b:s19+s3] =	stream.linear.scatter [tilespmem:s20], [sflag:$0x5], $0x80, $0x38;
	[tilespmem:$0x12800] =	vst v63  }
0x272: {  	s19 =	sadd.s32 $0x1020, s17;
	s20 =	simm.s32 $0x10B50  }
0x273: {  	[hbm4b:s19+s3] =	stream.linear.scatter [tilespmem:s20], [sflag:$0x5], $0x80, $0x38;
	[tilespmem:$0x12800] =	vst v63  }
0x274: {  	s19 =	sadd.s32 $0x1030, s17;
	s20 =	simm.s32 $0x10BD8  }
0x275: {  	[hbm4b:s19+s3] =	stream.linear.scatter [tilespmem:s20], [sflag:$0x5], $0x80, $0x38;
	[tilespmem:$0x12800] =	vst v63  }
0x276: {  	s19 =	sadd.s32 $0x1040, s17;
	s20 =	simm.s32 $0x10C60  }
0x277: {  	[hbm4b:s19+s3] =	stream.linear.scatter [tilespmem:s20], [sflag:$0x5], $0x80, $0x38;
	[tilespmem:$0x12800] =	vst v63  }
0x278: {  	s19 =	sadd.s32 $0x1050, s17;
	s20 =	simm.s32 $0x10CE8  }
0x279: {  	[hbm4b:s19+s3] =	stream.linear.scatter [tilespmem:s20], [sflag:$0x5], $0x80, $0x38;
	[tilespmem:$0x12800] =	vst v63  }
0x27a: {  	s19 =	sadd.s32 $0x1060, s17;
	s20 =	simm.s32 $0x10D70  }
0x27b: {  	[hbm4b:s19+s3] =	stream.linear.scatter [tilespmem:s20], [sflag:$0x5], $0x80, $0x38;
	[tilespmem:$0x12800] =	vst v63  }
0x27c: {  	s19 =	sadd.s32 $0x1070, s17;
	s20 =	simm.s32 $0x10DF8  }
0x27d: {  	[hbm4b:s19+s3] =	stream.linear.scatter [tilespmem:s20], [sflag:$0x5], $0x80, $0x38;
	[tilespmem:$0x12800] =	vst v63  }
0x27e: {  	s19 =	sadd.s32 $0x2000, s17;
	s20 =	simm.s32 $0x10E80  }
0x27f: {  	[hbm4b:s19+s3] =	stream.linear.scatter [tilespmem:s20], [sflag:$0x5], $0x80, $0x38;
	[tilespmem:$0x12800] =	vst v63  }
0x280: {  	s19 =	sadd.s32 $0x2010, s17;
	s20 =	simm.s32 $0x10F08  }
0x281: {  	[hbm4b:s19+s3] =	stream.linear.scatter [tilespmem:s20], [sflag:$0x5], $0x80, $0x38;
	[tilespmem:$0x12800] =	vst v63  }
0x282: {  	s19 =	sadd.s32 $0x2020, s17;
	s20 =	simm.s32 $0x10F90  }
0x283: {  	[hbm4b:s19+s3] =	stream.linear.scatter [tilespmem:s20], [sflag:$0x5], $0x80, $0x38;
	[tilespmem:$0x12800] =	vst v63  }
0x284: {  	s19 =	sadd.s32 $0x2030, s17;
	s20 =	simm.s32 $0x11018  }
0x285: {  	[hbm4b:s19+s3] =	stream.linear.scatter [tilespmem:s20], [sflag:$0x5], $0x80, $0x38;
	[tilespmem:$0x12800] =	vst v63  }
0x286: {  	s19 =	sadd.s32 $0x2040, s17;
	s20 =	simm.s32 $0x110A0  }
0x287: {  	[hbm4b:s19+s3] =	stream.linear.scatter [tilespmem:s20], [sflag:$0x5], $0x80, $0x38;
	[tilespmem:$0x12800] =	vst v63  }
0x288: {  	s19 =	sadd.s32 $0x2050, s17;
	s20 =	simm.s32 $0x11128  }
0x289: {  	[hbm4b:s19+s3] =	stream.linear.scatter [tilespmem:s20], [sflag:$0x5], $0x80, $0x38;
	[tilespmem:$0x12800] =	vst v63  }
0x28a: {  	s19 =	sadd.s32 $0x2060, s17;
	s20 =	simm.s32 $0x111B0  }
0x28b: {  	[hbm4b:s19+s3] =	stream.linear.scatter [tilespmem:s20], [sflag:$0x5], $0x80, $0x38;
	[tilespmem:$0x12800] =	vst v63  }
0x28c: {  	s19 =	sadd.s32 $0x2070, s17;
	s20 =	simm.s32 $0x11238  }
0x28d: {  	[hbm4b:s19+s3] =	stream.linear.scatter [tilespmem:s20], [sflag:$0x5], $0x80, $0x38;
	[tilespmem:$0x12800] =	vst v63  }
0x28e: {  	s19 =	sadd.s32 $0x3000, s17;
	s20 =	simm.s32 $0x112C0  }
0x28f: {  	[hbm4b:s19+s3] =	stream.linear.scatter [tilespmem:s20], [sflag:$0x5], $0x80, $0x38;
	[tilespmem:$0x12800] =	vst v63  }
0x290: {  	s19 =	sadd.s32 $0x3010, s17;
	s20 =	simm.s32 $0x11348  }
0x291: {  	[hbm4b:s19+s3] =	stream.linear.scatter [tilespmem:s20], [sflag:$0x5], $0x80, $0x38;
	[tilespmem:$0x12800] =	vst v63  }
0x292: {  	s19 =	sadd.s32 $0x3020, s17;
	s20 =	simm.s32 $0x113D0  }
0x293: {  	[hbm4b:s19+s3] =	stream.linear.scatter [tilespmem:s20], [sflag:$0x5], $0x80, $0x38;
	[tilespmem:$0x12800] =	vst v63  }
0x294: {  	s19 =	sadd.s32 $0x3030, s17;
	s20 =	simm.s32 $0x11458  }
0x295: {  	[hbm4b:s19+s3] =	stream.linear.scatter [tilespmem:s20], [sflag:$0x5], $0x80, $0x38;
	[tilespmem:$0x12800] =	vst v63  }
0x296: {  	s19 =	sadd.s32 $0x3040, s17;
	s20 =	simm.s32 $0x114E0  }
0x297: {  	[hbm4b:s19+s3] =	stream.linear.scatter [tilespmem:s20], [sflag:$0x5], $0x80, $0x38;
	[tilespmem:$0x12800] =	vst v63  }
0x298: {  	s19 =	sadd.s32 $0x3050, s17;
	s20 =	simm.s32 $0x11568  }
0x299: {  	[hbm4b:s19+s3] =	stream.linear.scatter [tilespmem:s20], [sflag:$0x5], $0x80, $0x38;
	[tilespmem:$0x12800] =	vst v63  }
0x29a: {  	s19 =	sadd.s32 $0x3060, s17;
	s20 =	simm.s32 $0x115F0  }
0x29b: {  	[hbm4b:s19+s3] =	stream.linear.scatter [tilespmem:s20], [sflag:$0x5], $0x80, $0x38;
	[tilespmem:$0x12800] =	vst v63  }
0x29c: {  	s19 =	sadd.s32 $0x3070, s17;
	s20 =	simm.s32 $0x11678  }
0x29d: {  	[hbm4b:s19+s3] =	stream.linear.scatter [tilespmem:s20], [sflag:$0x5], $0x80, $0x38;
	[tilespmem:$0x12800] =	vst v63  }
0x29e: {  	_ = 	snop  }
0x29f: {  	[hbm4b:s9+s3] =	stream.linear.scatter [tilespmem:s16], [sflag:$0x6], $0x80, $0x38;
	[tilespmem:$0x12800] =	vst v63  }
0x2a0: {  	s19 =	sadd.s32 $0x10, s9;
	s20 =	simm.s32 $0x11788  }
0x2a1: {  	[hbm4b:s19+s3] =	stream.linear.scatter [tilespmem:s20], [sflag:$0x6], $0x80, $0x38;
	[tilespmem:$0x12800] =	vst v63  }
0x2a2: {  	s19 =	sadd.s32 $0x20, s9;
	s20 =	simm.s32 $0x11810  }
0x2a3: {  	[hbm4b:s19+s3] =	stream.linear.scatter [tilespmem:s20], [sflag:$0x6], $0x80, $0x38;
	[tilespmem:$0x12800] =	vst v63  }
0x2a4: {  	s19 =	sadd.s32 $0x30, s9;
	s20 =	simm.s32 $0x11898  }
0x2a5: {  	[hbm4b:s19+s3] =	stream.linear.scatter [tilespmem:s20], [sflag:$0x6], $0x80, $0x38;
	[tilespmem:$0x12800] =	vst v63  }
0x2a6: {  	s19 =	sadd.s32 $0x40, s9;
	s20 =	simm.s32 $0x11920  }
0x2a7: {  	[hbm4b:s19+s3] =	stream.linear.scatter [tilespmem:s20], [sflag:$0x6], $0x80, $0x38;
	[tilespmem:$0x12800] =	vst v63  }
0x2a8: {  	s19 =	sadd.s32 $0x50, s9;
	s20 =	simm.s32 $0x119A8  }
0x2a9: {  	[hbm4b:s19+s3] =	stream.linear.scatter [tilespmem:s20], [sflag:$0x6], $0x80, $0x38;
	[tilespmem:$0x12800] =	vst v63  }
0x2aa: {  	s19 =	sadd.s32 $0x60, s9;
	s20 =	simm.s32 $0x11A30  }
0x2ab: {  	[hbm4b:s19+s3] =	stream.linear.scatter [tilespmem:s20], [sflag:$0x6], $0x80, $0x38;
	[tilespmem:$0x12800] =	vst v63  }
0x2ac: {  	s19 =	sadd.s32 $0x70, s9;
	s20 =	simm.s32 $0x11AB8  }
0x2ad: {  	[hbm4b:s19+s3] =	stream.linear.scatter [tilespmem:s20], [sflag:$0x6], $0x80, $0x38;
	[tilespmem:$0x12800] =	vst v63  }
0x2ae: {  	s19 =	sadd.s32 $0x1000, s9;
	s20 =	simm.s32 $0x11B40  }
0x2af: {  	[hbm4b:s19+s3] =	stream.linear.scatter [tilespmem:s20], [sflag:$0x6], $0x80, $0x38;
	[tilespmem:$0x12800] =	vst v63  }
0x2b0: {  	s19 =	sadd.s32 $0x1010, s9;
	s20 =	simm.s32 $0x11BC8  }
0x2b1: {  	[hbm4b:s19+s3] =	stream.linear.scatter [tilespmem:s20], [sflag:$0x6], $0x80, $0x38;
	[tilespmem:$0x12800] =	vst v63  }
0x2b2: {  	s19 =	sadd.s32 $0x1020, s9;
	s20 =	simm.s32 $0x11C50  }
0x2b3: {  	[hbm4b:s19+s3] =	stream.linear.scatter [tilespmem:s20], [sflag:$0x6], $0x80, $0x38;
	[tilespmem:$0x12800] =	vst v63  }
0x2b4: {  	s19 =	sadd.s32 $0x1030, s9;
	s20 =	simm.s32 $0x11CD8  }
0x2b5: {  	[hbm4b:s19+s3] =	stream.linear.scatter [tilespmem:s20], [sflag:$0x6], $0x80, $0x38;
	[tilespmem:$0x12800] =	vst v63  }
0x2b6: {  	s19 =	sadd.s32 $0x1040, s9;
	s20 =	simm.s32 $0x11D60  }
0x2b7: {  	[hbm4b:s19+s3] =	stream.linear.scatter [tilespmem:s20], [sflag:$0x6], $0x80, $0x38;
	[tilespmem:$0x12800] =	vst v63  }
0x2b8: {  	s19 =	sadd.s32 $0x1050, s9;
	s20 =	simm.s32 $0x11DE8  }
0x2b9: {  	[hbm4b:s19+s3] =	stream.linear.scatter [tilespmem:s20], [sflag:$0x6], $0x80, $0x38;
	[tilespmem:$0x12800] =	vst v63  }
0x2ba: {  	s19 =	sadd.s32 $0x1060, s9;
	s20 =	simm.s32 $0x11E70  }
0x2bb: {  	[hbm4b:s19+s3] =	stream.linear.scatter [tilespmem:s20], [sflag:$0x6], $0x80, $0x38;
	[tilespmem:$0x12800] =	vst v63  }
0x2bc: {  	s19 =	sadd.s32 $0x1070, s9;
	s20 =	simm.s32 $0x11EF8  }
0x2bd: {  	[hbm4b:s19+s3] =	stream.linear.scatter [tilespmem:s20], [sflag:$0x6], $0x80, $0x38;
	[tilespmem:$0x12800] =	vst v63  }
0x2be: {  	s19 =	sadd.s32 $0x2000, s9;
	s20 =	simm.s32 $0x11F80  }
0x2bf: {  	[hbm4b:s19+s3] =	stream.linear.scatter [tilespmem:s20], [sflag:$0x6], $0x80, $0x38;
	[tilespmem:$0x12800] =	vst v63  }
0x2c0: {  	s19 =	sadd.s32 $0x2010, s9;
	s20 =	simm.s32 $0x12008  }
0x2c1: {  	[hbm4b:s19+s3] =	stream.linear.scatter [tilespmem:s20], [sflag:$0x6], $0x80, $0x38;
	[tilespmem:$0x12800] =	vst v63  }
0x2c2: {  	s19 =	sadd.s32 $0x2020, s9;
	s20 =	simm.s32 $0x12090  }
0x2c3: {  	[hbm4b:s19+s3] =	stream.linear.scatter [tilespmem:s20], [sflag:$0x6], $0x80, $0x38;
	[tilespmem:$0x12800] =	vst v63  }
0x2c4: {  	s19 =	sadd.s32 $0x2030, s9;
	s20 =	simm.s32 $0x12118  }
0x2c5: {  	[hbm4b:s19+s3] =	stream.linear.scatter [tilespmem:s20], [sflag:$0x6], $0x80, $0x38;
	[tilespmem:$0x12800] =	vst v63  }
0x2c6: {  	s19 =	sadd.s32 $0x2040, s9;
	s20 =	simm.s32 $0x121A0  }
0x2c7: {  	[hbm4b:s19+s3] =	stream.linear.scatter [tilespmem:s20], [sflag:$0x6], $0x80, $0x38;
	[tilespmem:$0x12800] =	vst v63  }
0x2c8: {  	s19 =	sadd.s32 $0x2050, s9;
	s20 =	simm.s32 $0x12228  }
0x2c9: {  	[hbm4b:s19+s3] =	stream.linear.scatter [tilespmem:s20], [sflag:$0x6], $0x80, $0x38;
	[tilespmem:$0x12800] =	vst v63  }
0x2ca: {  	s19 =	sadd.s32 $0x2060, s9;
	s20 =	simm.s32 $0x122B0  }
0x2cb: {  	[hbm4b:s19+s3] =	stream.linear.scatter [tilespmem:s20], [sflag:$0x6], $0x80, $0x38;
	[tilespmem:$0x12800] =	vst v63  }
0x2cc: {  	s19 =	sadd.s32 $0x2070, s9;
	s20 =	simm.s32 $0x12338  }
0x2cd: {  	[hbm4b:s19+s3] =	stream.linear.scatter [tilespmem:s20], [sflag:$0x6], $0x80, $0x38;
	[tilespmem:$0x12800] =	vst v63  }
0x2ce: {  	s19 =	sadd.s32 $0x3000, s9;
	s20 =	simm.s32 $0x123C0  }
0x2cf: {  	[hbm4b:s19+s3] =	stream.linear.scatter [tilespmem:s20], [sflag:$0x6], $0x80, $0x38;
	[tilespmem:$0x12800] =	vst v63  }
0x2d0: {  	s19 =	sadd.s32 $0x3010, s9;
	s20 =	simm.s32 $0x12448  }
0x2d1: {  	[hbm4b:s19+s3] =	stream.linear.scatter [tilespmem:s20], [sflag:$0x6], $0x80, $0x38;
	[tilespmem:$0x12800] =	vst v63  }
0x2d2: {  	s19 =	sadd.s32 $0x3020, s9;
	s20 =	simm.s32 $0x124D0  }
0x2d3: {  	[hbm4b:s19+s3] =	stream.linear.scatter [tilespmem:s20], [sflag:$0x6], $0x80, $0x38;
	[tilespmem:$0x12800] =	vst v63  }
0x2d4: {  	s19 =	sadd.s32 $0x3030, s9;
	s20 =	simm.s32 $0x12558  }
0x2d5: {  	[hbm4b:s19+s3] =	stream.linear.scatter [tilespmem:s20], [sflag:$0x6], $0x80, $0x38;
	[tilespmem:$0x12800] =	vst v63  }
0x2d6: {  	s19 =	sadd.s32 $0x3040, s9;
	s20 =	simm.s32 $0x125E0  }
0x2d7: {  	[hbm4b:s19+s3] =	stream.linear.scatter [tilespmem:s20], [sflag:$0x6], $0x80, $0x38;
	[tilespmem:$0x12800] =	vst v63  }
0x2d8: {  	s19 =	sadd.s32 $0x3050, s9;
	s20 =	simm.s32 $0x12668  }
0x2d9: {  	[hbm4b:s19+s3] =	stream.linear.scatter [tilespmem:s20], [sflag:$0x6], $0x80, $0x38;
	[tilespmem:$0x12800] =	vst v63  }
.Ltmp5:
0x2da: {  	_ = 	snop;
	(pc) =	sbr.rel @p0 .LBB2_10-.Ltmp5, $4  }
0x2db: {  	s19 =	sadd.s32 $0x3060, s9;
	s20 =	simm.s32 $0x126F0  }
0x2dc: {  	[hbm4b:s19+s3] =	stream.linear.scatter [tilespmem:s20], [sflag:$0x6], $0x80, $0x38;
	[tilespmem:$0x12800] =	vst v63  }
0x2dd: {  	s19 =	sadd.s32 $0x3070, s9;
	s20 =	simm.s32 $0x12778  }
0x2de: {  	[hbm4b:s19+s3] =	stream.linear.scatter [tilespmem:s20], [sflag:$0x6], $0x80, $0x38;
	[tilespmem:$0x12800] =	vst v63  }
.Ltmp6:
0x2df: {  	(pc) =	sbr.rel .LBB2_4-.Ltmp6, $4  }
0x2e0: {  	_ = 	snop  }
0x2e1: {  	s9 =	sshrl.u32 s11, $0x2;
	s20 =	simm.s32 $0x200  }
0x2e2: {  	s17 =	simm.s32 $0xA400;
	s8 =	sadd.s32 $0x1, s8;
	s9 =	sadd.s32 $0x600, s9  }
0x2e3: {  	[tilespmem:s17], [sflag:$0x2] =	stream.indirect.gather [hbm4b:s4+s20], $0x20, s9, s20, $0xb8;
	[tilespmem:$0x12800] =	vst v63  }
.LBB2_11:
0x2e4: {  	_ =	sfence.sel $0x180000  }
0x2e5: {  	[bflag:$0x0] =	sbarrier.arrive $0xFFFF  }
0x2e6: {  	_ =	strace $0x90000047  }
0x2e7: {  	s0 =	stileid.u32;
	[bflag:$0x2] =	sbarrier.arrive $0xFFFF  }
0x2e8: {  	p0 =	sne.s32 s0, $0x0;
	s0 =	rddreg [dreg:$0x2]  }
0x2e9: {  	s0 =	sadd.s32 @!p0 $0x100000, s0  }
0x2ea: {  	[sflag:s0] =	ssyncadd.tile.s32 @!p0 $0x1;
	_ =	shalt  }
.Lfunc_end2:
_tile_overlayer_lowered:
.L_overlay_start_2:
0x2eb: {  	(tag) =	ssettag $0x2  }
0x2ec: {  	s0 =	rddreg [dreg:$0x0];
	s2 =	stileid.u32  }
0x2ed: {  	s1 =	rddreg [dreg:$0x1];
	p0 =	sne.s32 s2, $0x0  }
0x2ee: {  	s3 =	rddreg [dreg:$0x2];
	[bflag:$0x3] =	sbarrier.arrive $0xFFFF;
	s2 =	simm.s32 @!p0 $0x1C07  }
0x2ef: {  	[timem:s3], [sflag:s2] =	dma.local @!p0 [hbm:s0], s1  }
0x2f0: {  	s0 =	simm.s32 @!p0 $0x7  }
0x2f1: {  	_ =	swait.ge @!p0 [sflag:s0], s1  }
0x2f2: {  	s1 =	ssub.s32 @!p0 $0x0, s1;
	[sflag:s0] =	ssyncset.done @!p0 $0x0  }
0x2f3: {  	[sflag:s0] =	ssyncadd.s32 @!p0 s1  }
0x2f4: {  	[bflag:$0x3] =	sbarrier.arrive $0xFFFF  }
0x2f5: {  	_ =	shalt  }

</sc_bundles>
